<compile_context>
chip_gen: v7x
topology: tpu7x:2x2x1
jax: 0.10.2.dev20260603
libtpu: 0.0.44.dev20260713+nightly
codegen_flags: <defaults>
</compile_context>

<pallas_src>
import functools

import jax
import jax.numpy as jnp
from jax import lax
from jax.experimental import pallas as pl
from jax.experimental.pallas import tpu as pltpu
from jax.experimental.pallas import tpu_sc as plsc

NC = 2
NS = 16
NW = NC * NS

VOCAB = 100000
D = 128
B = 4096 * 200
B_PER_W = B // NW
CHUNK = 64
NCHUNKS = B_PER_W // CHUNK
NBUF = 8
LOOKAHEAD = 6

assert NCHUNKS % NBUF == 0 and B_PER_W % CHUNK == 0 and (NW * CHUNK) % 8 == 0

_mesh = plsc.VectorSubcoreMesh(core_axis_name="c", subcore_axis_name="s")


@functools.partial(
    pl.kernel,
    out_type=jax.ShapeDtypeStruct((B, D), jnp.float32),
    mesh=_mesh,
    scratch_types=[
        pltpu.VMEM((NCHUNKS, CHUNK), jnp.int32),
        pltpu.VMEM((NBUF, CHUNK, D), jnp.float32),
        [pltpu.SemaphoreType.DMA] * NBUF,
        [pltpu.SemaphoreType.DMA] * NBUF,
    ],
)
def _gather_all(table_hbm, x_hbm, out_hbm, idx_v, rows_v, gsems, osems):
    wid = lax.axis_index("s") * NC + lax.axis_index("c")
    pltpu.sync_copy(x_hbm.at[pl.ds(wid * NCHUNKS, NCHUNKS)], idx_v)
    base = wid * B_PER_W

    def gather(j, b):
        return pltpu.make_async_copy(
            table_hbm.at[idx_v.at[j]], rows_v.at[b], gsems[b])

    def outcopy(j, b):
        return pltpu.make_async_copy(
            rows_v.at[b], out_hbm.at[pl.ds(base + j * CHUNK, CHUNK)], osems[b])

    for b in range(LOOKAHEAD):
        gather(b, b).start()

    LAG = NBUF - LOOKAHEAD

    def ring_body(i, carry):
        j0 = i * NBUF
        for b in range(NBUF):
            j = j0 + b
            gather(j, b).wait()
            outcopy(j, b).start()
            bn = (b + LOOKAHEAD) % NBUF

            @pl.when(j >= LAG)
            def _():
                outcopy(j - LAG, bn).wait()

            @pl.when(j + LOOKAHEAD < NCHUNKS)
            def _():
                gather(j + LOOKAHEAD, bn).start()
        return carry

    lax.fori_loop(0, NCHUNKS // NBUF, ring_body, 0, unroll=False)

    for j in range(NCHUNKS - LAG, NCHUNKS):
        outcopy(j, j % NBUF).wait()


def kernel(x, table):
    x2d = x.reshape(B // CHUNK, CHUNK).astype(jnp.int32)
    out = _gather_all(table, x2d)
    return out.reshape(4096, 200, D)

# --- scband reference (transcript-rebuilt; emitter-appended) ---
"""Pipeline reference for scband-simple-text-encoder-21852793602139 (READ-ONLY COPY).

The authoritative reference and input builder live on the scoring server;
editing this copy changes nothing except your own understanding.
"""

import jax, jax.numpy as jnp
import numpy as np

VOCAB_SIZE = 100000
EMBED_DIM = 128

def setup_inputs(seed: int = 0) -> dict:
    key = jax.random.key(seed)
    k_idx, k_tab = jax.random.split(key)
    x = jax.random.randint(k_idx, (4096, 200), 0, VOCAB_SIZE, dtype=jnp.int64 if jax.config.jax_enable_x64 else jnp.int32)
    table = jax.random.normal(k_tab, (VOCAB_SIZE, EMBED_DIM), dtype=jnp.float32)
    # nn.Embedding with padding_idx=0 initializes row 0 to zeros
    table = table.at[0].set(0.0)
    return {"x": x, "table": table}

def reference(x, table):
    # Faithful translation of nn.Embedding forward: gather rows by index
    return jnp.take(table, x, axis=0)

if __name__ == "__main__":
    import jax
    _d = setup_inputs()
    print(jax.jit(kernel)(*tuple(_d.values())))

</pallas_src>

<mosaic_0001>
#map = affine_map<(d0, d1) -> (0, 0)>
module attributes {stable_mosaic.version = 14 : i64} {
  func.func @_gather_all(%arg0: i32, %arg1: i32, %arg2: memref<100000x128xf32, #tpu.memory_space<hbm>>, %arg3: memref<12800x64xi32, #tpu.memory_space<hbm>>, %arg4: memref<819200x128xf32, #tpu.memory_space<hbm>>, %arg5: memref<400x64xi32, #tpu.memory_space<vmem>>, %arg6: memref<8x64x128xf32, #tpu.memory_space<vmem>>, %arg7: memref<!tpu.dma_semaphore, #tpu.memory_space<semaphore_mem>>, %arg8: memref<!tpu.dma_semaphore, #tpu.memory_space<semaphore_mem>>, %arg9: memref<!tpu.dma_semaphore, #tpu.memory_space<semaphore_mem>>, %arg10: memref<!tpu.dma_semaphore, #tpu.memory_space<semaphore_mem>>, %arg11: memref<!tpu.dma_semaphore, #tpu.memory_space<semaphore_mem>>, %arg12: memref<!tpu.dma_semaphore, #tpu.memory_space<semaphore_mem>>, %arg13: memref<!tpu.dma_semaphore, #tpu.memory_space<semaphore_mem>>, %arg14: memref<!tpu.dma_semaphore, #tpu.memory_space<semaphore_mem>>, %arg15: memref<!tpu.dma_semaphore, #tpu.memory_space<semaphore_mem>>, %arg16: memref<!tpu.dma_semaphore, #tpu.memory_space<semaphore_mem>>, %arg17: memref<!tpu.dma_semaphore, #tpu.memory_space<semaphore_mem>>, %arg18: memref<!tpu.dma_semaphore, #tpu.memory_space<semaphore_mem>>, %arg19: memref<!tpu.dma_semaphore, #tpu.memory_space<semaphore_mem>>, %arg20: memref<!tpu.dma_semaphore, #tpu.memory_space<semaphore_mem>>, %arg21: memref<!tpu.dma_semaphore, #tpu.memory_space<semaphore_mem>>, %arg22: memref<!tpu.dma_semaphore, #tpu.memory_space<semaphore_mem>>) attributes {dimension_semantics = [#tpu.dimension_semantics<core_parallel>, #tpu.dimension_semantics<subcore_parallel>], iteration_bounds = array<i64: 2, 16>, scalar_prefetch = 0 : i64, scratch_operands = 18 : i64, tpu.core_type = #tpu.core_type<sc_vector_subcore>, window_params = [{transform_indices = #map}, {transform_indices = #map}, {transform_indices = #map}]} {
    %mul3A = arith.constant 2 : i32
    %mul3A_0 = arith.muli %arg1, %mul3A : i32
    %add3A = arith.addi %mul3A_0, %arg0 : i32
    %mul3A_1 = arith.constant 400 : i32
    %mul3A_2 = arith.muli %add3A, %mul3A_1 : i32
    "tpu.region"() ({
      %run_scoped3A = tpu.sem_alloc : memref<!tpu.dma_semaphore, #tpu.memory_space<semaphore_mem>>
      %dma_start3A_110 = arith.constant 0 : i32
      %dma_start3A_111 = tpu.memref_slice %arg3[%mul3A_2, %dma_start3A_110] : memref<12800x64xi32, #tpu.memory_space<hbm>> -> memref<400x64xi32, #tpu.memory_space<hbm>>
      %dma_start3A_112 = arith.constant 0 : i32
      %dma_start3A_113 = tpu.memref_slice %arg3[%mul3A_2, %dma_start3A_112] : memref<12800x64xi32, #tpu.memory_space<hbm>> -> memref<400x64xi32, #tpu.memory_space<hbm>>
      tpu.enqueue_dma source(%dma_start3A_113 : memref<400x64xi32, #tpu.memory_space<hbm>>) target(%arg5 : memref<400x64xi32, #tpu.memory_space<vmem>>) target_semaphore(%run_scoped3A : memref<!tpu.dma_semaphore, #tpu.memory_space<semaphore_mem>>)
      %dma_wait3A_114 = arith.constant 0 : i32
      %dma_wait3A_115 = tpu.memref_slice %arg3[%mul3A_2, %dma_wait3A_114] : memref<12800x64xi32, #tpu.memory_space<hbm>> -> memref<400x64xi32, #tpu.memory_space<hbm>>
      %dma_wait3A_116 = arith.constant 0 : i32
      %dma_wait3A_117 = tpu.memref_slice %arg3[%mul3A_2, %dma_wait3A_116] : memref<12800x64xi32, #tpu.memory_space<hbm>> -> memref<400x64xi32, #tpu.memory_space<hbm>>
      tpu.wait_dma2 semaphore(%run_scoped3A : memref<!tpu.dma_semaphore, #tpu.memory_space<semaphore_mem>>) src(%dma_wait3A_117 : memref<400x64xi32, #tpu.memory_space<hbm>>) dst(%arg5 : memref<400x64xi32, #tpu.memory_space<vmem>>)
      tpu.yield
    }) : () -> ()
    %mul3A_3 = arith.constant 25600 : i32
    %mul3A_4 = arith.muli %add3A, %mul3A_3 : i32
    %dma_start3A = arith.constant 0 : i32
    %dma_start3A_5 = arith.constant 0 : i32
    %dma_start3A_6 = arith.constant 0 : i32
    %dma_start3A_7 = arith.constant 0 : i32
    %dma_start3A_8 = tpu.memref_slice %arg6[%dma_start3A_5, %dma_start3A_6, %dma_start3A_7] : memref<8x64x128xf32, #tpu.memory_space<vmem>> -> memref<1x64x128xf32, #tpu.memory_space<vmem>>
    %dma_start3A_9 = tpu.memref_squeeze %dma_start3A_8 : memref<1x64x128xf32, #tpu.memory_space<vmem>> -> memref<64x128xf32, #tpu.memory_space<vmem>>
    %dma_start3A_10 = arith.constant 0 : i32
    %dma_start3A_11 = tpu.memref_slice %arg5[%dma_start3A, %dma_start3A_10] : memref<400x64xi32, #tpu.memory_space<vmem>> -> memref<1x64xi32, #tpu.memory_space<vmem>>
    %dma_start3A_12 = tpu.memref_squeeze %dma_start3A_11 : memref<1x64xi32, #tpu.memory_space<vmem>> -> memref<64xi32, #tpu.memory_space<vmem>>
    %dma_start3A_13 = arith.constant 0 : i32
    %dma_start3A_14 = arith.constant 0 : i32
    %dma_start3A_15 = tpu.memref_slice %arg2[%dma_start3A_13, %dma_start3A_14] : memref<100000x128xf32, #tpu.memory_space<hbm>> -> memref<100000x128xf32, #tpu.memory_space<hbm>>
    tpu.enqueue_indirect_dma source(%dma_start3A_15 : memref<100000x128xf32, #tpu.memory_space<hbm>>) target(%dma_start3A_9 : memref<64x128xf32, #tpu.memory_space<vmem>>) offsets(%dma_start3A_12 : memref<64xi32, #tpu.memory_space<vmem>>) semaphore(%arg7 : memref<!tpu.dma_semaphore, #tpu.memory_space<semaphore_mem>>)
    %dma_start3A_16 = arith.constant 1 : i32
    %dma_start3A_17 = arith.constant 1 : i32
    %dma_start3A_18 = arith.constant 0 : i32
    %dma_start3A_19 = arith.constant 0 : i32
    %dma_start3A_20 = tpu.memref_slice %arg6[%dma_start3A_17, %dma_start3A_18, %dma_start3A_19] : memref<8x64x128xf32, #tpu.memory_space<vmem>> -> memref<1x64x128xf32, #tpu.memory_space<vmem>>
    %dma_start3A_21 = tpu.memref_squeeze %dma_start3A_20 : memref<1x64x128xf32, #tpu.memory_space<vmem>> -> memref<64x128xf32, #tpu.memory_space<vmem>>
    %dma_start3A_22 = arith.constant 0 : i32
    %dma_start3A_23 = tpu.memref_slice %arg5[%dma_start3A_16, %dma_start3A_22] : memref<400x64xi32, #tpu.memory_space<vmem>> -> memref<1x64xi32, #tpu.memory_space<vmem>>
    %dma_start3A_24 = tpu.memref_squeeze %dma_start3A_23 : memref<1x64xi32, #tpu.memory_space<vmem>> -> memref<64xi32, #tpu.memory_space<vmem>>
    %dma_start3A_25 = arith.constant 0 : i32
    %dma_start3A_26 = arith.constant 0 : i32
    %dma_start3A_27 = tpu.memref_slice %arg2[%dma_start3A_25, %dma_start3A_26] : memref<100000x128xf32, #tpu.memory_space<hbm>> -> memref<100000x128xf32, #tpu.memory_space<hbm>>
    tpu.enqueue_indirect_dma source(%dma_start3A_27 : memref<100000x128xf32, #tpu.memory_space<hbm>>) target(%dma_start3A_21 : memref<64x128xf32, #tpu.memory_space<vmem>>) offsets(%dma_start3A_24 : memref<64xi32, #tpu.memory_space<vmem>>) semaphore(%arg8 : memref<!tpu.dma_semaphore, #tpu.memory_space<semaphore_mem>>)
    %dma_start3A_28 = arith.constant 2 : i32
    %dma_start3A_29 = arith.constant 2 : i32
    %dma_start3A_30 = arith.constant 0 : i32
    %dma_start3A_31 = arith.constant 0 : i32
    %dma_start3A_32 = tpu.memref_slice %arg6[%dma_start3A_29, %dma_start3A_30, %dma_start3A_31] : memref<8x64x128xf32, #tpu.memory_space<vmem>> -> memref<1x64x128xf32, #tpu.memory_space<vmem>>
    %dma_start3A_33 = tpu.memref_squeeze %dma_start3A_32 : memref<1x64x128xf32, #tpu.memory_space<vmem>> -> memref<64x128xf32, #tpu.memory_space<vmem>>
    %dma_start3A_34 = arith.constant 0 : i32
    %dma_start3A_35 = tpu.memref_slice %arg5[%dma_start3A_28, %dma_start3A_34] : memref<400x64xi32, #tpu.memory_space<vmem>> -> memref<1x64xi32, #tpu.memory_space<vmem>>
    %dma_start3A_36 = tpu.memref_squeeze %dma_start3A_35 : memref<1x64xi32, #tpu.memory_space<vmem>> -> memref<64xi32, #tpu.memory_space<vmem>>
    %dma_start3A_37 = arith.constant 0 : i32
    %dma_start3A_38 = arith.constant 0 : i32
    %dma_start3A_39 = tpu.memref_slice %arg2[%dma_start3A_37, %dma_start3A_38] : memref<100000x128xf32, #tpu.memory_space<hbm>> -> memref<100000x128xf32, #tpu.memory_space<hbm>>
    tpu.enqueue_indirect_dma source(%dma_start3A_39 : memref<100000x128xf32, #tpu.memory_space<hbm>>) target(%dma_start3A_33 : memref<64x128xf32, #tpu.memory_space<vmem>>) offsets(%dma_start3A_36 : memref<64xi32, #tpu.memory_space<vmem>>) semaphore(%arg9 : memref<!tpu.dma_semaphore, #tpu.memory_space<semaphore_mem>>)
    %dma_start3A_40 = arith.constant 3 : i32
    %dma_start3A_41 = arith.constant 3 : i32
    %dma_start3A_42 = arith.constant 0 : i32
    %dma_start3A_43 = arith.constant 0 : i32
    %dma_start3A_44 = tpu.memref_slice %arg6[%dma_start3A_41, %dma_start3A_42, %dma_start3A_43] : memref<8x64x128xf32, #tpu.memory_space<vmem>> -> memref<1x64x128xf32, #tpu.memory_space<vmem>>
    %dma_start3A_45 = tpu.memref_squeeze %dma_start3A_44 : memref<1x64x128xf32, #tpu.memory_space<vmem>> -> memref<64x128xf32, #tpu.memory_space<vmem>>
    %dma_start3A_46 = arith.constant 0 : i32
    %dma_start3A_47 = tpu.memref_slice %arg5[%dma_start3A_40, %dma_start3A_46] : memref<400x64xi32, #tpu.memory_space<vmem>> -> memref<1x64xi32, #tpu.memory_space<vmem>>
    %dma_start3A_48 = tpu.memref_squeeze %dma_start3A_47 : memref<1x64xi32, #tpu.memory_space<vmem>> -> memref<64xi32, #tpu.memory_space<vmem>>
    %dma_start3A_49 = arith.constant 0 : i32
    %dma_start3A_50 = arith.constant 0 : i32
    %dma_start3A_51 = tpu.memref_slice %arg2[%dma_start3A_49, %dma_start3A_50] : memref<100000x128xf32, #tpu.memory_space<hbm>> -> memref<100000x128xf32, #tpu.memory_space<hbm>>
    tpu.enqueue_indirect_dma source(%dma_start3A_51 : memref<100000x128xf32, #tpu.memory_space<hbm>>) target(%dma_start3A_45 : memref<64x128xf32, #tpu.memory_space<vmem>>) offsets(%dma_start3A_48 : memref<64xi32, #tpu.memory_space<vmem>>) semaphore(%arg10 : memref<!tpu.dma_semaphore, #tpu.memory_space<semaphore_mem>>)
    %dma_start3A_52 = arith.constant 4 : i32
    %dma_start3A_53 = arith.constant 4 : i32
    %dma_start3A_54 = arith.constant 0 : i32
    %dma_start3A_55 = arith.constant 0 : i32
    %dma_start3A_56 = tpu.memref_slice %arg6[%dma_start3A_53, %dma_start3A_54, %dma_start3A_55] : memref<8x64x128xf32, #tpu.memory_space<vmem>> -> memref<1x64x128xf32, #tpu.memory_space<vmem>>
    %dma_start3A_57 = tpu.memref_squeeze %dma_start3A_56 : memref<1x64x128xf32, #tpu.memory_space<vmem>> -> memref<64x128xf32, #tpu.memory_space<vmem>>
    %dma_start3A_58 = arith.constant 0 : i32
    %dma_start3A_59 = tpu.memref_slice %arg5[%dma_start3A_52, %dma_start3A_58] : memref<400x64xi32, #tpu.memory_space<vmem>> -> memref<1x64xi32, #tpu.memory_space<vmem>>
    %dma_start3A_60 = tpu.memref_squeeze %dma_start3A_59 : memref<1x64xi32, #tpu.memory_space<vmem>> -> memref<64xi32, #tpu.memory_space<vmem>>
    %dma_start3A_61 = arith.constant 0 : i32
    %dma_start3A_62 = arith.constant 0 : i32
    %dma_start3A_63 = tpu.memref_slice %arg2[%dma_start3A_61, %dma_start3A_62] : memref<100000x128xf32, #tpu.memory_space<hbm>> -> memref<100000x128xf32, #tpu.memory_space<hbm>>
    tpu.enqueue_indirect_dma source(%dma_start3A_63 : memref<100000x128xf32, #tpu.memory_space<hbm>>) target(%dma_start3A_57 : memref<64x128xf32, #tpu.memory_space<vmem>>) offsets(%dma_start3A_60 : memref<64xi32, #tpu.memory_space<vmem>>) semaphore(%arg11 : memref<!tpu.dma_semaphore, #tpu.memory_space<semaphore_mem>>)
    %dma_start3A_64 = arith.constant 5 : i32
    %dma_start3A_65 = arith.constant 5 : i32
    %dma_start3A_66 = arith.constant 0 : i32
    %dma_start3A_67 = arith.constant 0 : i32
    %dma_start3A_68 = tpu.memref_slice %arg6[%dma_start3A_65, %dma_start3A_66, %dma_start3A_67] : memref<8x64x128xf32, #tpu.memory_space<vmem>> -> memref<1x64x128xf32, #tpu.memory_space<vmem>>
    %dma_start3A_69 = tpu.memref_squeeze %dma_start3A_68 : memref<1x64x128xf32, #tpu.memory_space<vmem>> -> memref<64x128xf32, #tpu.memory_space<vmem>>
    %dma_start3A_70 = arith.constant 0 : i32
    %dma_start3A_71 = tpu.memref_slice %arg5[%dma_start3A_64, %dma_start3A_70] : memref<400x64xi32, #tpu.memory_space<vmem>> -> memref<1x64xi32, #tpu.memory_space<vmem>>
    %dma_start3A_72 = tpu.memref_squeeze %dma_start3A_71 : memref<1x64xi32, #tpu.memory_space<vmem>> -> memref<64xi32, #tpu.memory_space<vmem>>
    %dma_start3A_73 = arith.constant 0 : i32
    %dma_start3A_74 = arith.constant 0 : i32
    %dma_start3A_75 = tpu.memref_slice %arg2[%dma_start3A_73, %dma_start3A_74] : memref<100000x128xf32, #tpu.memory_space<hbm>> -> memref<100000x128xf32, #tpu.memory_space<hbm>>
    tpu.enqueue_indirect_dma source(%dma_start3A_75 : memref<100000x128xf32, #tpu.memory_space<hbm>>) target(%dma_start3A_69 : memref<64x128xf32, #tpu.memory_space<vmem>>) offsets(%dma_start3A_72 : memref<64xi32, #tpu.memory_space<vmem>>) semaphore(%arg12 : memref<!tpu.dma_semaphore, #tpu.memory_space<semaphore_mem>>)
    %scan3A = arith.constant 0 : i32
    %scan3A_76 = arith.constant 0 : i32
    %scan3A_77 = arith.constant 50 : i32
    %scan3A_78 = arith.addi %scan3A_76, %scan3A_77 : i32
    %scan3A_79 = arith.constant 1 : i32
    scf.for %scan3A_110 = %scan3A_76 to %scan3A_78 step %scan3A_79  : i32 {
      %mul3A_111 = arith.constant 8 : i32
      %mul3A_112 = arith.muli %scan3A_110, %mul3A_111 : i32
      %add3A_113 = arith.constant 0 : i32
      %add3A_114 = arith.addi %mul3A_112, %add3A_113 : i32
      %dma_wait3A_115 = arith.constant 0 : i32
      %dma_wait3A_116 = arith.constant 0 : i32
      %dma_wait3A_117 = arith.constant 0 : i32
      %dma_wait3A_118 = tpu.memref_slice %arg6[%dma_wait3A_115, %dma_wait3A_116, %dma_wait3A_117] : memref<8x64x128xf32, #tpu.memory_space<vmem>> -> memref<1x64x128xf32, #tpu.memory_space<vmem>>
      %dma_wait3A_119 = tpu.memref_squeeze %dma_wait3A_118 : memref<1x64x128xf32, #tpu.memory_space<vmem>> -> memref<64x128xf32, #tpu.memory_space<vmem>>
      %dma_wait3A_120 = arith.constant 0 : i32
      %dma_wait3A_121 = tpu.memref_slice %arg5[%add3A_114, %dma_wait3A_120] : memref<400x64xi32, #tpu.memory_space<vmem>> -> memref<1x64xi32, #tpu.memory_space<vmem>>
      %dma_wait3A_122 = tpu.memref_squeeze %dma_wait3A_121 : memref<1x64xi32, #tpu.memory_space<vmem>> -> memref<64xi32, #tpu.memory_space<vmem>>
      %dma_wait3A_123 = arith.constant 0 : i32
      %dma_wait3A_124 = arith.constant 0 : i32
      %dma_wait3A_125 = tpu.memref_slice %arg2[%dma_wait3A_123, %dma_wait3A_124] : memref<100000x128xf32, #tpu.memory_space<hbm>> -> memref<100000x128xf32, #tpu.memory_space<hbm>>
      tpu.wait_indirect_dma semaphore(%arg7 : memref<!tpu.dma_semaphore, #tpu.memory_space<semaphore_mem>>) src(%dma_wait3A_125 : memref<100000x128xf32, #tpu.memory_space<hbm>>) dst(%dma_wait3A_119 : memref<64x128xf32, #tpu.memory_space<vmem>>)
      %mul3A_126 = arith.constant 64 : i32
      %mul3A_127 = arith.muli %add3A_114, %mul3A_126 : i32
      %add3A_128 = arith.addi %mul3A_4, %mul3A_127 : i32
      %dma_start3A_129 = arith.constant 0 : i32
      %dma_start3A_130 = arith.constant 0 : i32
      %dma_start3A_131 = arith.constant 0 : i32
      %dma_start3A_132 = tpu.memref_slice %arg6[%dma_start3A_129, %dma_start3A_130, %dma_start3A_131] : memref<8x64x128xf32, #tpu.memory_space<vmem>> -> memref<1x64x128xf32, #tpu.memory_space<vmem>>
      %dma_start3A_133 = tpu.memref_squeeze %dma_start3A_132 : memref<1x64x128xf32, #tpu.memory_space<vmem>> -> memref<64x128xf32, #tpu.memory_space<vmem>>
      %dma_start3A_134 = arith.constant 0 : i32
      %dma_start3A_135 = tpu.memref_slice %arg4[%add3A_128, %dma_start3A_134] : memref<819200x128xf32, #tpu.memory_space<hbm>> -> memref<64x128xf32, #tpu.memory_space<hbm>>
      %dma_start3A_136 = arith.constant 0 : i32
      %dma_start3A_137 = tpu.memref_slice %arg4[%add3A_128, %dma_start3A_136] : memref<819200x128xf32, #tpu.memory_space<hbm>> -> memref<64x128xf32, #tpu.memory_space<hbm>>
      %dma_start3A_138 = arith.constant 0 : i32
      %dma_start3A_139 = arith.constant 0 : i32
      %dma_start3A_140 = tpu.memref_slice %arg6[%dma_start3A_129, %dma_start3A_138, %dma_start3A_139] : memref<8x64x128xf32, #tpu.memory_space<vmem>> -> memref<1x64x128xf32, #tpu.memory_space<vmem>>
      %dma_start3A_141 = tpu.memref_squeeze %dma_start3A_140 : memref<1x64x128xf32, #tpu.memory_space<vmem>> -> memref<64x128xf32, #tpu.memory_space<vmem>>
      tpu.enqueue_dma source(%dma_start3A_141 : memref<64x128xf32, #tpu.memory_space<vmem>>) target(%dma_start3A_137 : memref<64x128xf32, #tpu.memory_space<hbm>>) target_semaphore(%arg15 : memref<!tpu.dma_semaphore, #tpu.memory_space<semaphore_mem>>)
      %ge3A = arith.constant 2 : i32
      %ge3A_142 = arith.cmpi sge, %add3A_114, %ge3A : i32
      %convert_element_type3A = arith.extui %ge3A_142 : i1 to i32
      %cond3A = arith.constant 0 : i32
      %cond3A_143 = arith.cmpi ne, %convert_element_type3A, %cond3A : i32
      scf.if %cond3A_143 {
        %sub3A = arith.constant 2 : i32
        %sub3A_437 = arith.subi %add3A_114, %sub3A : i32
        %mul3A_438 = arith.constant 64 : i32
        %mul3A_439 = arith.muli %sub3A_437, %mul3A_438 : i32
        %add3A_440 = arith.addi %mul3A_4, %mul3A_439 : i32
        %dma_wait3A_441 = arith.constant 6 : i32
        %dma_wait3A_442 = arith.constant 0 : i32
        %dma_wait3A_443 = arith.constant 0 : i32
        %dma_wait3A_444 = tpu.memref_slice %arg6[%dma_wait3A_441, %dma_wait3A_442, %dma_wait3A_443] : memref<8x64x128xf32, #tpu.memory_space<vmem>> -> memref<1x64x128xf32, #tpu.memory_space<vmem>>
        %dma_wait3A_445 = tpu.memref_squeeze %dma_wait3A_444 : memref<1x64x128xf32, #tpu.memory_space<vmem>> -> memref<64x128xf32, #tpu.memory_space<vmem>>
        %dma_wait3A_446 = arith.constant 0 : i32
        %dma_wait3A_447 = tpu.memref_slice %arg4[%add3A_440, %dma_wait3A_446] : memref<819200x128xf32, #tpu.memory_space<hbm>> -> memref<64x128xf32, #tpu.memory_space<hbm>>
        %dma_wait3A_448 = arith.constant 0 : i32
        %dma_wait3A_449 = tpu.memref_slice %arg4[%add3A_440, %dma_wait3A_448] : memref<819200x128xf32, #tpu.memory_space<hbm>> -> memref<64x128xf32, #tpu.memory_space<hbm>>
        %dma_wait3A_450 = arith.constant 0 : i32
        %dma_wait3A_451 = arith.constant 0 : i32
        %dma_wait3A_452 = tpu.memref_slice %arg6[%dma_wait3A_441, %dma_wait3A_450, %dma_wait3A_451] : memref<8x64x128xf32, #tpu.memory_space<vmem>> -> memref<1x64x128xf32, #tpu.memory_space<vmem>>
        %dma_wait3A_453 = tpu.memref_squeeze %dma_wait3A_452 : memref<1x64x128xf32, #tpu.memory_space<vmem>> -> memref<64x128xf32, #tpu.memory_space<vmem>>
        tpu.wait_dma2 semaphore(%arg21 : memref<!tpu.dma_semaphore, #tpu.memory_space<semaphore_mem>>) src(%dma_wait3A_453 : memref<64x128xf32, #tpu.memory_space<vmem>>) dst(%dma_wait3A_449 : memref<64x128xf32, #tpu.memory_space<hbm>>)
      } else {
      }
      %add3A_144 = arith.constant 6 : i32
      %add3A_145 = arith.addi %add3A_114, %add3A_144 : i32
      %lt3A = arith.constant 400 : i32
      %lt3A_146 = arith.cmpi slt, %add3A_145, %lt3A : i32
      %convert_element_type3A_147 = arith.extui %lt3A_146 : i1 to i32
      %cond3A_148 = arith.constant 0 : i32
      %cond3A_149 = arith.cmpi ne, %convert_element_type3A_147, %cond3A_148 : i32
      scf.if %cond3A_149 {
        %add3A_437 = arith.constant 6 : i32
        %add3A_438 = arith.addi %add3A_114, %add3A_437 : i32
        %dma_start3A_439 = arith.constant 6 : i32
        %dma_start3A_440 = arith.constant 0 : i32
        %dma_start3A_441 = arith.constant 0 : i32
        %dma_start3A_442 = tpu.memref_slice %arg6[%dma_start3A_439, %dma_start3A_440, %dma_start3A_441] : memref<8x64x128xf32, #tpu.memory_space<vmem>> -> memref<1x64x128xf32, #tpu.memory_space<vmem>>
        %dma_start3A_443 = tpu.memref_squeeze %dma_start3A_442 : memref<1x64x128xf32, #tpu.memory_space<vmem>> -> memref<64x128xf32, #tpu.memory_space<vmem>>
        %dma_start3A_444 = arith.constant 0 : i32
        %dma_start3A_445 = tpu.memref_slice %arg5[%add3A_438, %dma_start3A_444] : memref<400x64xi32, #tpu.memory_space<vmem>> -> memref<1x64xi32, #tpu.memory_space<vmem>>
        %dma_start3A_446 = tpu.memref_squeeze %dma_start3A_445 : memref<1x64xi32, #tpu.memory_space<vmem>> -> memref<64xi32, #tpu.memory_space<vmem>>
        %dma_start3A_447 = arith.constant 0 : i32
        %dma_start3A_448 = arith.constant 0 : i32
        %dma_start3A_449 = tpu.memref_slice %arg2[%dma_start3A_447, %dma_start3A_448] : memref<100000x128xf32, #tpu.memory_space<hbm>> -> memref<100000x128xf32, #tpu.memory_space<hbm>>
        tpu.enqueue_indirect_dma source(%dma_start3A_449 : memref<100000x128xf32, #tpu.memory_space<hbm>>) target(%dma_start3A_443 : memref<64x128xf32, #tpu.memory_space<vmem>>) offsets(%dma_start3A_446 : memref<64xi32, #tpu.memory_space<vmem>>) semaphore(%arg13 : memref<!tpu.dma_semaphore, #tpu.memory_space<semaphore_mem>>)
      } else {
      }
      %add3A_150 = arith.constant 1 : i32
      %add3A_151 = arith.addi %mul3A_112, %add3A_150 : i32
      %dma_wait3A_152 = arith.constant 1 : i32
      %dma_wait3A_153 = arith.constant 0 : i32
      %dma_wait3A_154 = arith.constant 0 : i32
      %dma_wait3A_155 = tpu.memref_slice %arg6[%dma_wait3A_152, %dma_wait3A_153, %dma_wait3A_154] : memref<8x64x128xf32, #tpu.memory_space<vmem>> -> memref<1x64x128xf32, #tpu.memory_space<vmem>>
      %dma_wait3A_156 = tpu.memref_squeeze %dma_wait3A_155 : memref<1x64x128xf32, #tpu.memory_space<vmem>> -> memref<64x128xf32, #tpu.memory_space<vmem>>
      %dma_wait3A_157 = arith.constant 0 : i32
      %dma_wait3A_158 = tpu.memref_slice %arg5[%add3A_151, %dma_wait3A_157] : memref<400x64xi32, #tpu.memory_space<vmem>> -> memref<1x64xi32, #tpu.memory_space<vmem>>
      %dma_wait3A_159 = tpu.memref_squeeze %dma_wait3A_158 : memref<1x64xi32, #tpu.memory_space<vmem>> -> memref<64xi32, #tpu.memory_space<vmem>>
      %dma_wait3A_160 = arith.constant 0 : i32
      %dma_wait3A_161 = arith.constant 0 : i32
      %dma_wait3A_162 = tpu.memref_slice %arg2[%dma_wait3A_160, %dma_wait3A_161] : memref<100000x128xf32, #tpu.memory_space<hbm>> -> memref<100000x128xf32, #tpu.memory_space<hbm>>
      tpu.wait_indirect_dma semaphore(%arg8 : memref<!tpu.dma_semaphore, #tpu.memory_space<semaphore_mem>>) src(%dma_wait3A_162 : memref<100000x128xf32, #tpu.memory_space<hbm>>) dst(%dma_wait3A_156 : memref<64x128xf32, #tpu.memory_space<vmem>>)
      %mul3A_163 = arith.constant 64 : i32
      %mul3A_164 = arith.muli %add3A_151, %mul3A_163 : i32
      %add3A_165 = arith.addi %mul3A_4, %mul3A_164 : i32
      %dma_start3A_166 = arith.constant 1 : i32
      %dma_start3A_167 = arith.constant 0 : i32
      %dma_start3A_168 = arith.constant 0 : i32
      %dma_start3A_169 = tpu.memref_slice %arg6[%dma_start3A_166, %dma_start3A_167, %dma_start3A_168] : memref<8x64x128xf32, #tpu.memory_space<vmem>> -> memref<1x64x128xf32, #tpu.memory_space<vmem>>
      %dma_start3A_170 = tpu.memref_squeeze %dma_start3A_169 : memref<1x64x128xf32, #tpu.memory_space<vmem>> -> memref<64x128xf32, #tpu.memory_space<vmem>>
      %dma_start3A_171 = arith.constant 0 : i32
      %dma_start3A_172 = tpu.memref_slice %arg4[%add3A_165, %dma_start3A_171] : memref<819200x128xf32, #tpu.memory_space<hbm>> -> memref<64x128xf32, #tpu.memory_space<hbm>>
      %dma_start3A_173 = arith.constant 0 : i32
      %dma_start3A_174 = tpu.memref_slice %arg4[%add3A_165, %dma_start3A_173] : memref<819200x128xf32, #tpu.memory_space<hbm>> -> memref<64x128xf32, #tpu.memory_space<hbm>>
      %dma_start3A_175 = arith.constant 0 : i32
      %dma_start3A_176 = arith.constant 0 : i32
      %dma_start3A_177 = tpu.memref_slice %arg6[%dma_start3A_166, %dma_start3A_175, %dma_start3A_176] : memref<8x64x128xf32, #tpu.memory_space<vmem>> -> memref<1x64x128xf32, #tpu.memory_space<vmem>>
      %dma_start3A_178 = tpu.memref_squeeze %dma_start3A_177 : memref<1x64x128xf32, #tpu.memory_space<vmem>> -> memref<64x128xf32, #tpu.memory_space<vmem>>
      tpu.enqueue_dma source(%dma_start3A_178 : memref<64x128xf32, #tpu.memory_space<vmem>>) target(%dma_start3A_174 : memref<64x128xf32, #tpu.memory_space<hbm>>) target_semaphore(%arg16 : memref<!tpu.dma_semaphore, #tpu.memory_space<semaphore_mem>>)
      %ge3A_179 = arith.constant 2 : i32
      %ge3A_180 = arith.cmpi sge, %add3A_151, %ge3A_179 : i32
      %convert_element_type3A_181 = arith.extui %ge3A_180 : i1 to i32
      %cond3A_182 = arith.constant 0 : i32
      %cond3A_183 = arith.cmpi ne, %convert_element_type3A_181, %cond3A_182 : i32
      scf.if %cond3A_183 {
        %sub3A = arith.constant 2 : i32
        %sub3A_437 = arith.subi %add3A_151, %sub3A : i32
        %mul3A_438 = arith.constant 64 : i32
        %mul3A_439 = arith.muli %sub3A_437, %mul3A_438 : i32
        %add3A_440 = arith.addi %mul3A_4, %mul3A_439 : i32
        %dma_wait3A_441 = arith.constant 7 : i32
        %dma_wait3A_442 = arith.constant 0 : i32
        %dma_wait3A_443 = arith.constant 0 : i32
        %dma_wait3A_444 = tpu.memref_slice %arg6[%dma_wait3A_441, %dma_wait3A_442, %dma_wait3A_443] : memref<8x64x128xf32, #tpu.memory_space<vmem>> -> memref<1x64x128xf32, #tpu.memory_space<vmem>>
        %dma_wait3A_445 = tpu.memref_squeeze %dma_wait3A_444 : memref<1x64x128xf32, #tpu.memory_space<vmem>> -> memref<64x128xf32, #tpu.memory_space<vmem>>
        %dma_wait3A_446 = arith.constant 0 : i32
        %dma_wait3A_447 = tpu.memref_slice %arg4[%add3A_440, %dma_wait3A_446] : memref<819200x128xf32, #tpu.memory_space<hbm>> -> memref<64x128xf32, #tpu.memory_space<hbm>>
        %dma_wait3A_448 = arith.constant 0 : i32
        %dma_wait3A_449 = tpu.memref_slice %arg4[%add3A_440, %dma_wait3A_448] : memref<819200x128xf32, #tpu.memory_space<hbm>> -> memref<64x128xf32, #tpu.memory_space<hbm>>
        %dma_wait3A_450 = arith.constant 0 : i32
        %dma_wait3A_451 = arith.constant 0 : i32
        %dma_wait3A_452 = tpu.memref_slice %arg6[%dma_wait3A_441, %dma_wait3A_450, %dma_wait3A_451] : memref<8x64x128xf32, #tpu.memory_space<vmem>> -> memref<1x64x128xf32, #tpu.memory_space<vmem>>
        %dma_wait3A_453 = tpu.memref_squeeze %dma_wait3A_452 : memref<1x64x128xf32, #tpu.memory_space<vmem>> -> memref<64x128xf32, #tpu.memory_space<vmem>>
        tpu.wait_dma2 semaphore(%arg22 : memref<!tpu.dma_semaphore, #tpu.memory_space<semaphore_mem>>) src(%dma_wait3A_453 : memref<64x128xf32, #tpu.memory_space<vmem>>) dst(%dma_wait3A_449 : memref<64x128xf32, #tpu.memory_space<hbm>>)
      } else {
      }
      %add3A_184 = arith.constant 6 : i32
      %add3A_185 = arith.addi %add3A_151, %add3A_184 : i32
      %lt3A_186 = arith.constant 400 : i32
      %lt3A_187 = arith.cmpi slt, %add3A_185, %lt3A_186 : i32
      %convert_element_type3A_188 = arith.extui %lt3A_187 : i1 to i32
      %cond3A_189 = arith.constant 0 : i32
      %cond3A_190 = arith.cmpi ne, %convert_element_type3A_188, %cond3A_189 : i32
      scf.if %cond3A_190 {
        %add3A_437 = arith.constant 6 : i32
        %add3A_438 = arith.addi %add3A_151, %add3A_437 : i32
        %dma_start3A_439 = arith.constant 7 : i32
        %dma_start3A_440 = arith.constant 0 : i32
        %dma_start3A_441 = arith.constant 0 : i32
        %dma_start3A_442 = tpu.memref_slice %arg6[%dma_start3A_439, %dma_start3A_440, %dma_start3A_441] : memref<8x64x128xf32, #tpu.memory_space<vmem>> -> memref<1x64x128xf32, #tpu.memory_space<vmem>>
        %dma_start3A_443 = tpu.memref_squeeze %dma_start3A_442 : memref<1x64x128xf32, #tpu.memory_space<vmem>> -> memref<64x128xf32, #tpu.memory_space<vmem>>
        %dma_start3A_444 = arith.constant 0 : i32
        %dma_start3A_445 = tpu.memref_slice %arg5[%add3A_438, %dma_start3A_444] : memref<400x64xi32, #tpu.memory_space<vmem>> -> memref<1x64xi32, #tpu.memory_space<vmem>>
        %dma_start3A_446 = tpu.memref_squeeze %dma_start3A_445 : memref<1x64xi32, #tpu.memory_space<vmem>> -> memref<64xi32, #tpu.memory_space<vmem>>
        %dma_start3A_447 = arith.constant 0 : i32
        %dma_start3A_448 = arith.constant 0 : i32
        %dma_start3A_449 = tpu.memref_slice %arg2[%dma_start3A_447, %dma_start3A_448] : memref<100000x128xf32, #tpu.memory_space<hbm>> -> memref<100000x128xf32, #tpu.memory_space<hbm>>
        tpu.enqueue_indirect_dma source(%dma_start3A_449 : memref<100000x128xf32, #tpu.memory_space<hbm>>) target(%dma_start3A_443 : memref<64x128xf32, #tpu.memory_space<vmem>>) offsets(%dma_start3A_446 : memref<64xi32, #tpu.memory_space<vmem>>) semaphore(%arg14 : memref<!tpu.dma_semaphore, #tpu.memory_space<semaphore_mem>>)
      } else {
      }
      %add3A_191 = arith.constant 2 : i32
      %add3A_192 = arith.addi %mul3A_112, %add3A_191 : i32
      %dma_wait3A_193 = arith.constant 2 : i32
      %dma_wait3A_194 = arith.constant 0 : i32
      %dma_wait3A_195 = arith.constant 0 : i32
      %dma_wait3A_196 = tpu.memref_slice %arg6[%dma_wait3A_193, %dma_wait3A_194, %dma_wait3A_195] : memref<8x64x128xf32, #tpu.memory_space<vmem>> -> memref<1x64x128xf32, #tpu.memory_space<vmem>>
      %dma_wait3A_197 = tpu.memref_squeeze %dma_wait3A_196 : memref<1x64x128xf32, #tpu.memory_space<vmem>> -> memref<64x128xf32, #tpu.memory_space<vmem>>
      %dma_wait3A_198 = arith.constant 0 : i32
      %dma_wait3A_199 = tpu.memref_slice %arg5[%add3A_192, %dma_wait3A_198] : memref<400x64xi32, #tpu.memory_space<vmem>> -> memref<1x64xi32, #tpu.memory_space<vmem>>
      %dma_wait3A_200 = tpu.memref_squeeze %dma_wait3A_199 : memref<1x64xi32, #tpu.memory_space<vmem>> -> memref<64xi32, #tpu.memory_space<vmem>>
      %dma_wait3A_201 = arith.constant 0 : i32
      %dma_wait3A_202 = arith.constant 0 : i32
      %dma_wait3A_203 = tpu.memref_slice %arg2[%dma_wait3A_201, %dma_wait3A_202] : memref<100000x128xf32, #tpu.memory_space<hbm>> -> memref<100000x128xf32, #tpu.memory_space<hbm>>
      tpu.wait_indirect_dma semaphore(%arg9 : memref<!tpu.dma_semaphore, #tpu.memory_space<semaphore_mem>>) src(%dma_wait3A_203 : memref<100000x128xf32, #tpu.memory_space<hbm>>) dst(%dma_wait3A_197 : memref<64x128xf32, #tpu.memory_space<vmem>>)
      %mul3A_204 = arith.constant 64 : i32
      %mul3A_205 = arith.muli %add3A_192, %mul3A_204 : i32
      %add3A_206 = arith.addi %mul3A_4, %mul3A_205 : i32
      %dma_start3A_207 = arith.constant 2 : i32
      %dma_start3A_208 = arith.constant 0 : i32
      %dma_start3A_209 = arith.constant 0 : i32
      %dma_start3A_210 = tpu.memref_slice %arg6[%dma_start3A_207, %dma_start3A_208, %dma_start3A_209] : memref<8x64x128xf32, #tpu.memory_space<vmem>> -> memref<1x64x128xf32, #tpu.memory_space<vmem>>
      %dma_start3A_211 = tpu.memref_squeeze %dma_start3A_210 : memref<1x64x128xf32, #tpu.memory_space<vmem>> -> memref<64x128xf32, #tpu.memory_space<vmem>>
      %dma_start3A_212 = arith.constant 0 : i32
      %dma_start3A_213 = tpu.memref_slice %arg4[%add3A_206, %dma_start3A_212] : memref<819200x128xf32, #tpu.memory_space<hbm>> -> memref<64x128xf32, #tpu.memory_space<hbm>>
      %dma_start3A_214 = arith.constant 0 : i32
      %dma_start3A_215 = tpu.memref_slice %arg4[%add3A_206, %dma_start3A_214] : memref<819200x128xf32, #tpu.memory_space<hbm>> -> memref<64x128xf32, #tpu.memory_space<hbm>>
      %dma_start3A_216 = arith.constant 0 : i32
      %dma_start3A_217 = arith.constant 0 : i32
      %dma_start3A_218 = tpu.memref_slice %arg6[%dma_start3A_207, %dma_start3A_216, %dma_start3A_217] : memref<8x64x128xf32, #tpu.memory_space<vmem>> -> memref<1x64x128xf32, #tpu.memory_space<vmem>>
      %dma_start3A_219 = tpu.memref_squeeze %dma_start3A_218 : memref<1x64x128xf32, #tpu.memory_space<vmem>> -> memref<64x128xf32, #tpu.memory_space<vmem>>
      tpu.enqueue_dma source(%dma_start3A_219 : memref<64x128xf32, #tpu.memory_space<vmem>>) target(%dma_start3A_215 : memref<64x128xf32, #tpu.memory_space<hbm>>) target_semaphore(%arg17 : memref<!tpu.dma_semaphore, #tpu.memory_space<semaphore_mem>>)
      %ge3A_220 = arith.constant 2 : i32
      %ge3A_221 = arith.cmpi sge, %add3A_192, %ge3A_220 : i32
      %convert_element_type3A_222 = arith.extui %ge3A_221 : i1 to i32
      %cond3A_223 = arith.constant 0 : i32
      %cond3A_224 = arith.cmpi ne, %convert_element_type3A_222, %cond3A_223 : i32
      scf.if %cond3A_224 {
        %sub3A = arith.constant 2 : i32
        %sub3A_437 = arith.subi %add3A_192, %sub3A : i32
        %mul3A_438 = arith.constant 64 : i32
        %mul3A_439 = arith.muli %sub3A_437, %mul3A_438 : i32
        %add3A_440 = arith.addi %mul3A_4, %mul3A_439 : i32
        %dma_wait3A_441 = arith.constant 0 : i32
        %dma_wait3A_442 = arith.constant 0 : i32
        %dma_wait3A_443 = arith.constant 0 : i32
        %dma_wait3A_444 = tpu.memref_slice %arg6[%dma_wait3A_441, %dma_wait3A_442, %dma_wait3A_443] : memref<8x64x128xf32, #tpu.memory_space<vmem>> -> memref<1x64x128xf32, #tpu.memory_space<vmem>>
        %dma_wait3A_445 = tpu.memref_squeeze %dma_wait3A_444 : memref<1x64x128xf32, #tpu.memory_space<vmem>> -> memref<64x128xf32, #tpu.memory_space<vmem>>
        %dma_wait3A_446 = arith.constant 0 : i32
        %dma_wait3A_447 = tpu.memref_slice %arg4[%add3A_440, %dma_wait3A_446] : memref<819200x128xf32, #tpu.memory_space<hbm>> -> memref<64x128xf32, #tpu.memory_space<hbm>>
        %dma_wait3A_448 = arith.constant 0 : i32
        %dma_wait3A_449 = tpu.memref_slice %arg4[%add3A_440, %dma_wait3A_448] : memref<819200x128xf32, #tpu.memory_space<hbm>> -> memref<64x128xf32, #tpu.memory_space<hbm>>
        %dma_wait3A_450 = arith.constant 0 : i32
        %dma_wait3A_451 = arith.constant 0 : i32
        %dma_wait3A_452 = tpu.memref_slice %arg6[%dma_wait3A_441, %dma_wait3A_450, %dma_wait3A_451] : memref<8x64x128xf32, #tpu.memory_space<vmem>> -> memref<1x64x128xf32, #tpu.memory_space<vmem>>
        %dma_wait3A_453 = tpu.memref_squeeze %dma_wait3A_452 : memref<1x64x128xf32, #tpu.memory_space<vmem>> -> memref<64x128xf32, #tpu.memory_space<vmem>>
        tpu.wait_dma2 semaphore(%arg15 : memref<!tpu.dma_semaphore, #tpu.memory_space<semaphore_mem>>) src(%dma_wait3A_453 : memref<64x128xf32, #tpu.memory_space<vmem>>) dst(%dma_wait3A_449 : memref<64x128xf32, #tpu.memory_space<hbm>>)
      } else {
      }
      %add3A_225 = arith.constant 6 : i32
      %add3A_226 = arith.addi %add3A_192, %add3A_225 : i32
      %lt3A_227 = arith.constant 400 : i32
      %lt3A_228 = arith.cmpi slt, %add3A_226, %lt3A_227 : i32
      %convert_element_type3A_229 = arith.extui %lt3A_228 : i1 to i32
      %cond3A_230 = arith.constant 0 : i32
      %cond3A_231 = arith.cmpi ne, %convert_element_type3A_229, %cond3A_230 : i32
      scf.if %cond3A_231 {
        %add3A_437 = arith.constant 6 : i32
        %add3A_438 = arith.addi %add3A_192, %add3A_437 : i32
        %dma_start3A_439 = arith.constant 0 : i32
        %dma_start3A_440 = arith.constant 0 : i32
        %dma_start3A_441 = arith.constant 0 : i32
        %dma_start3A_442 = tpu.memref_slice %arg6[%dma_start3A_439, %dma_start3A_440, %dma_start3A_441] : memref<8x64x128xf32, #tpu.memory_space<vmem>> -> memref<1x64x128xf32, #tpu.memory_space<vmem>>
        %dma_start3A_443 = tpu.memref_squeeze %dma_start3A_442 : memref<1x64x128xf32, #tpu.memory_space<vmem>> -> memref<64x128xf32, #tpu.memory_space<vmem>>
        %dma_start3A_444 = arith.constant 0 : i32
        %dma_start3A_445 = tpu.memref_slice %arg5[%add3A_438, %dma_start3A_444] : memref<400x64xi32, #tpu.memory_space<vmem>> -> memref<1x64xi32, #tpu.memory_space<vmem>>
        %dma_start3A_446 = tpu.memref_squeeze %dma_start3A_445 : memref<1x64xi32, #tpu.memory_space<vmem>> -> memref<64xi32, #tpu.memory_space<vmem>>
        %dma_start3A_447 = arith.constant 0 : i32
        %dma_start3A_448 = arith.constant 0 : i32
        %dma_start3A_449 = tpu.memref_slice %arg2[%dma_start3A_447, %dma_start3A_448] : memref<100000x128xf32, #tpu.memory_space<hbm>> -> memref<100000x128xf32, #tpu.memory_space<hbm>>
        tpu.enqueue_indirect_dma source(%dma_start3A_449 : memref<100000x128xf32, #tpu.memory_space<hbm>>) target(%dma_start3A_443 : memref<64x128xf32, #tpu.memory_space<vmem>>) offsets(%dma_start3A_446 : memref<64xi32, #tpu.memory_space<vmem>>) semaphore(%arg7 : memref<!tpu.dma_semaphore, #tpu.memory_space<semaphore_mem>>)
      } else {
      }
      %add3A_232 = arith.constant 3 : i32
      %add3A_233 = arith.addi %mul3A_112, %add3A_232 : i32
      %dma_wait3A_234 = arith.constant 3 : i32
      %dma_wait3A_235 = arith.constant 0 : i32
      %dma_wait3A_236 = arith.constant 0 : i32
      %dma_wait3A_237 = tpu.memref_slice %arg6[%dma_wait3A_234, %dma_wait3A_235, %dma_wait3A_236] : memref<8x64x128xf32, #tpu.memory_space<vmem>> -> memref<1x64x128xf32, #tpu.memory_space<vmem>>
      %dma_wait3A_238 = tpu.memref_squeeze %dma_wait3A_237 : memref<1x64x128xf32, #tpu.memory_space<vmem>> -> memref<64x128xf32, #tpu.memory_space<vmem>>
      %dma_wait3A_239 = arith.constant 0 : i32
      %dma_wait3A_240 = tpu.memref_slice %arg5[%add3A_233, %dma_wait3A_239] : memref<400x64xi32, #tpu.memory_space<vmem>> -> memref<1x64xi32, #tpu.memory_space<vmem>>
      %dma_wait3A_241 = tpu.memref_squeeze %dma_wait3A_240 : memref<1x64xi32, #tpu.memory_space<vmem>> -> memref<64xi32, #tpu.memory_space<vmem>>
      %dma_wait3A_242 = arith.constant 0 : i32
      %dma_wait3A_243 = arith.constant 0 : i32
      %dma_wait3A_244 = tpu.memref_slice %arg2[%dma_wait3A_242, %dma_wait3A_243] : memref<100000x128xf32, #tpu.memory_space<hbm>> -> memref<100000x128xf32, #tpu.memory_space<hbm>>
      tpu.wait_indirect_dma semaphore(%arg10 : memref<!tpu.dma_semaphore, #tpu.memory_space<semaphore_mem>>) src(%dma_wait3A_244 : memref<100000x128xf32, #tpu.memory_space<hbm>>) dst(%dma_wait3A_238 : memref<64x128xf32, #tpu.memory_space<vmem>>)
      %mul3A_245 = arith.constant 64 : i32
      %mul3A_246 = arith.muli %add3A_233, %mul3A_245 : i32
      %add3A_247 = arith.addi %mul3A_4, %mul3A_246 : i32
      %dma_start3A_248 = arith.constant 3 : i32
      %dma_start3A_249 = arith.constant 0 : i32
      %dma_start3A_250 = arith.constant 0 : i32
      %dma_start3A_251 = tpu.memref_slice %arg6[%dma_start3A_248, %dma_start3A_249, %dma_start3A_250] : memref<8x64x128xf32, #tpu.memory_space<vmem>> -> memref<1x64x128xf32, #tpu.memory_space<vmem>>
      %dma_start3A_252 = tpu.memref_squeeze %dma_start3A_251 : memref<1x64x128xf32, #tpu.memory_space<vmem>> -> memref<64x128xf32, #tpu.memory_space<vmem>>
      %dma_start3A_253 = arith.constant 0 : i32
      %dma_start3A_254 = tpu.memref_slice %arg4[%add3A_247, %dma_start3A_253] : memref<819200x128xf32, #tpu.memory_space<hbm>> -> memref<64x128xf32, #tpu.memory_space<hbm>>
      %dma_start3A_255 = arith.constant 0 : i32
      %dma_start3A_256 = tpu.memref_slice %arg4[%add3A_247, %dma_start3A_255] : memref<819200x128xf32, #tpu.memory_space<hbm>> -> memref<64x128xf32, #tpu.memory_space<hbm>>
      %dma_start3A_257 = arith.constant 0 : i32
      %dma_start3A_258 = arith.constant 0 : i32
      %dma_start3A_259 = tpu.memref_slice %arg6[%dma_start3A_248, %dma_start3A_257, %dma_start3A_258] : memref<8x64x128xf32, #tpu.memory_space<vmem>> -> memref<1x64x128xf32, #tpu.memory_space<vmem>>
      %dma_start3A_260 = tpu.memref_squeeze %dma_start3A_259 : memref<1x64x128xf32, #tpu.memory_space<vmem>> -> memref<64x128xf32, #tpu.memory_space<vmem>>
      tpu.enqueue_dma source(%dma_start3A_260 : memref<64x128xf32, #tpu.memory_space<vmem>>) target(%dma_start3A_256 : memref<64x128xf32, #tpu.memory_space<hbm>>) target_semaphore(%arg18 : memref<!tpu.dma_semaphore, #tpu.memory_space<semaphore_mem>>)
      %ge3A_261 = arith.constant 2 : i32
      %ge3A_262 = arith.cmpi sge, %add3A_233, %ge3A_261 : i32
      %convert_element_type3A_263 = arith.extui %ge3A_262 : i1 to i32
      %cond3A_264 = arith.constant 0 : i32
      %cond3A_265 = arith.cmpi ne, %convert_element_type3A_263, %cond3A_264 : i32
      scf.if %cond3A_265 {
        %sub3A = arith.constant 2 : i32
        %sub3A_437 = arith.subi %add3A_233, %sub3A : i32
        %mul3A_438 = arith.constant 64 : i32
        %mul3A_439 = arith.muli %sub3A_437, %mul3A_438 : i32
        %add3A_440 = arith.addi %mul3A_4, %mul3A_439 : i32
        %dma_wait3A_441 = arith.constant 1 : i32
        %dma_wait3A_442 = arith.constant 0 : i32
        %dma_wait3A_443 = arith.constant 0 : i32
        %dma_wait3A_444 = tpu.memref_slice %arg6[%dma_wait3A_441, %dma_wait3A_442, %dma_wait3A_443] : memref<8x64x128xf32, #tpu.memory_space<vmem>> -> memref<1x64x128xf32, #tpu.memory_space<vmem>>
        %dma_wait3A_445 = tpu.memref_squeeze %dma_wait3A_444 : memref<1x64x128xf32, #tpu.memory_space<vmem>> -> memref<64x128xf32, #tpu.memory_space<vmem>>
        %dma_wait3A_446 = arith.constant 0 : i32
        %dma_wait3A_447 = tpu.memref_slice %arg4[%add3A_440, %dma_wait3A_446] : memref<819200x128xf32, #tpu.memory_space<hbm>> -> memref<64x128xf32, #tpu.memory_space<hbm>>
        %dma_wait3A_448 = arith.constant 0 : i32
        %dma_wait3A_449 = tpu.memref_slice %arg4[%add3A_440, %dma_wait3A_448] : memref<819200x128xf32, #tpu.memory_space<hbm>> -> memref<64x128xf32, #tpu.memory_space<hbm>>
        %dma_wait3A_450 = arith.constant 0 : i32
        %dma_wait3A_451 = arith.constant 0 : i32
        %dma_wait3A_452 = tpu.memref_slice %arg6[%dma_wait3A_441, %dma_wait3A_450, %dma_wait3A_451] : memref<8x64x128xf32, #tpu.memory_space<vmem>> -> memref<1x64x128xf32, #tpu.memory_space<vmem>>
        %dma_wait3A_453 = tpu.memref_squeeze %dma_wait3A_452 : memref<1x64x128xf32, #tpu.memory_space<vmem>> -> memref<64x128xf32, #tpu.memory_space<vmem>>
        tpu.wait_dma2 semaphore(%arg16 : memref<!tpu.dma_semaphore, #tpu.memory_space<semaphore_mem>>) src(%dma_wait3A_453 : memref<64x128xf32, #tpu.memory_space<vmem>>) dst(%dma_wait3A_449 : memref<64x128xf32, #tpu.memory_space<hbm>>)
      } else {
      }
      %add3A_266 = arith.constant 6 : i32
      %add3A_267 = arith.addi %add3A_233, %add3A_266 : i32
      %lt3A_268 = arith.constant 400 : i32
      %lt3A_269 = arith.cmpi slt, %add3A_267, %lt3A_268 : i32
      %convert_element_type3A_270 = arith.extui %lt3A_269 : i1 to i32
      %cond3A_271 = arith.constant 0 : i32
      %cond3A_272 = arith.cmpi ne, %convert_element_type3A_270, %cond3A_271 : i32
      scf.if %cond3A_272 {
        %add3A_437 = arith.constant 6 : i32
        %add3A_438 = arith.addi %add3A_233, %add3A_437 : i32
        %dma_start3A_439 = arith.constant 1 : i32
        %dma_start3A_440 = arith.constant 0 : i32
        %dma_start3A_441 = arith.constant 0 : i32
        %dma_start3A_442 = tpu.memref_slice %arg6[%dma_start3A_439, %dma_start3A_440, %dma_start3A_441] : memref<8x64x128xf32, #tpu.memory_space<vmem>> -> memref<1x64x128xf32, #tpu.memory_space<vmem>>
        %dma_start3A_443 = tpu.memref_squeeze %dma_start3A_442 : memref<1x64x128xf32, #tpu.memory_space<vmem>> -> memref<64x128xf32, #tpu.memory_space<vmem>>
        %dma_start3A_444 = arith.constant 0 : i32
        %dma_start3A_445 = tpu.memref_slice %arg5[%add3A_438, %dma_start3A_444] : memref<400x64xi32, #tpu.memory_space<vmem>> -> memref<1x64xi32, #tpu.memory_space<vmem>>
        %dma_start3A_446 = tpu.memref_squeeze %dma_start3A_445 : memref<1x64xi32, #tpu.memory_space<vmem>> -> memref<64xi32, #tpu.memory_space<vmem>>
        %dma_start3A_447 = arith.constant 0 : i32
        %dma_start3A_448 = arith.constant 0 : i32
        %dma_start3A_449 = tpu.memref_slice %arg2[%dma_start3A_447, %dma_start3A_448] : memref<100000x128xf32, #tpu.memory_space<hbm>> -> memref<100000x128xf32, #tpu.memory_space<hbm>>
        tpu.enqueue_indirect_dma source(%dma_start3A_449 : memref<100000x128xf32, #tpu.memory_space<hbm>>) target(%dma_start3A_443 : memref<64x128xf32, #tpu.memory_space<vmem>>) offsets(%dma_start3A_446 : memref<64xi32, #tpu.memory_space<vmem>>) semaphore(%arg8 : memref<!tpu.dma_semaphore, #tpu.memory_space<semaphore_mem>>)
      } else {
      }
      %add3A_273 = arith.constant 4 : i32
      %add3A_274 = arith.addi %mul3A_112, %add3A_273 : i32
      %dma_wait3A_275 = arith.constant 4 : i32
      %dma_wait3A_276 = arith.constant 0 : i32
      %dma_wait3A_277 = arith.constant 0 : i32
      %dma_wait3A_278 = tpu.memref_slice %arg6[%dma_wait3A_275, %dma_wait3A_276, %dma_wait3A_277] : memref<8x64x128xf32, #tpu.memory_space<vmem>> -> memref<1x64x128xf32, #tpu.memory_space<vmem>>
      %dma_wait3A_279 = tpu.memref_squeeze %dma_wait3A_278 : memref<1x64x128xf32, #tpu.memory_space<vmem>> -> memref<64x128xf32, #tpu.memory_space<vmem>>
      %dma_wait3A_280 = arith.constant 0 : i32
      %dma_wait3A_281 = tpu.memref_slice %arg5[%add3A_274, %dma_wait3A_280] : memref<400x64xi32, #tpu.memory_space<vmem>> -> memref<1x64xi32, #tpu.memory_space<vmem>>
      %dma_wait3A_282 = tpu.memref_squeeze %dma_wait3A_281 : memref<1x64xi32, #tpu.memory_space<vmem>> -> memref<64xi32, #tpu.memory_space<vmem>>
      %dma_wait3A_283 = arith.constant 0 : i32
      %dma_wait3A_284 = arith.constant 0 : i32
      %dma_wait3A_285 = tpu.memref_slice %arg2[%dma_wait3A_283, %dma_wait3A_284] : memref<100000x128xf32, #tpu.memory_space<hbm>> -> memref<100000x128xf32, #tpu.memory_space<hbm>>
      tpu.wait_indirect_dma semaphore(%arg11 : memref<!tpu.dma_semaphore, #tpu.memory_space<semaphore_mem>>) src(%dma_wait3A_285 : memref<100000x128xf32, #tpu.memory_space<hbm>>) dst(%dma_wait3A_279 : memref<64x128xf32, #tpu.memory_space<vmem>>)
      %mul3A_286 = arith.constant 64 : i32
      %mul3A_287 = arith.muli %add3A_274, %mul3A_286 : i32
      %add3A_288 = arith.addi %mul3A_4, %mul3A_287 : i32
      %dma_start3A_289 = arith.constant 4 : i32
      %dma_start3A_290 = arith.constant 0 : i32
      %dma_start3A_291 = arith.constant 0 : i32
      %dma_start3A_292 = tpu.memref_slice %arg6[%dma_start3A_289, %dma_start3A_290, %dma_start3A_291] : memref<8x64x128xf32, #tpu.memory_space<vmem>> -> memref<1x64x128xf32, #tpu.memory_space<vmem>>
      %dma_start3A_293 = tpu.memref_squeeze %dma_start3A_292 : memref<1x64x128xf32, #tpu.memory_space<vmem>> -> memref<64x128xf32, #tpu.memory_space<vmem>>
      %dma_start3A_294 = arith.constant 0 : i32
      %dma_start3A_295 = tpu.memref_slice %arg4[%add3A_288, %dma_start3A_294] : memref<819200x128xf32, #tpu.memory_space<hbm>> -> memref<64x128xf32, #tpu.memory_space<hbm>>
      %dma_start3A_296 = arith.constant 0 : i32
      %dma_start3A_297 = tpu.memref_slice %arg4[%add3A_288, %dma_start3A_296] : memref<819200x128xf32, #tpu.memory_space<hbm>> -> memref<64x128xf32, #tpu.memory_space<hbm>>
      %dma_start3A_298 = arith.constant 0 : i32
      %dma_start3A_299 = arith.constant 0 : i32
      %dma_start3A_300 = tpu.memref_slice %arg6[%dma_start3A_289, %dma_start3A_298, %dma_start3A_299] : memref<8x64x128xf32, #tpu.memory_space<vmem>> -> memref<1x64x128xf32, #tpu.memory_space<vmem>>
      %dma_start3A_301 = tpu.memref_squeeze %dma_start3A_300 : memref<1x64x128xf32, #tpu.memory_space<vmem>> -> memref<64x128xf32, #tpu.memory_space<vmem>>
      tpu.enqueue_dma source(%dma_start3A_301 : memref<64x128xf32, #tpu.memory_space<vmem>>) target(%dma_start3A_297 : memref<64x128xf32, #tpu.memory_space<hbm>>) target_semaphore(%arg19 : memref<!tpu.dma_semaphore, #tpu.memory_space<semaphore_mem>>)
      %ge3A_302 = arith.constant 2 : i32
      %ge3A_303 = arith.cmpi sge, %add3A_274, %ge3A_302 : i32
      %convert_element_type3A_304 = arith.extui %ge3A_303 : i1 to i32
      %cond3A_305 = arith.constant 0 : i32
      %cond3A_306 = arith.cmpi ne, %convert_element_type3A_304, %cond3A_305 : i32
      scf.if %cond3A_306 {
        %sub3A = arith.constant 2 : i32
        %sub3A_437 = arith.subi %add3A_274, %sub3A : i32
        %mul3A_438 = arith.constant 64 : i32
        %mul3A_439 = arith.muli %sub3A_437, %mul3A_438 : i32
        %add3A_440 = arith.addi %mul3A_4, %mul3A_439 : i32
        %dma_wait3A_441 = arith.constant 2 : i32
        %dma_wait3A_442 = arith.constant 0 : i32
        %dma_wait3A_443 = arith.constant 0 : i32
        %dma_wait3A_444 = tpu.memref_slice %arg6[%dma_wait3A_441, %dma_wait3A_442, %dma_wait3A_443] : memref<8x64x128xf32, #tpu.memory_space<vmem>> -> memref<1x64x128xf32, #tpu.memory_space<vmem>>
        %dma_wait3A_445 = tpu.memref_squeeze %dma_wait3A_444 : memref<1x64x128xf32, #tpu.memory_space<vmem>> -> memref<64x128xf32, #tpu.memory_space<vmem>>
        %dma_wait3A_446 = arith.constant 0 : i32
        %dma_wait3A_447 = tpu.memref_slice %arg4[%add3A_440, %dma_wait3A_446] : memref<819200x128xf32, #tpu.memory_space<hbm>> -> memref<64x128xf32, #tpu.memory_space<hbm>>
        %dma_wait3A_448 = arith.constant 0 : i32
        %dma_wait3A_449 = tpu.memref_slice %arg4[%add3A_440, %dma_wait3A_448] : memref<819200x128xf32, #tpu.memory_space<hbm>> -> memref<64x128xf32, #tpu.memory_space<hbm>>
        %dma_wait3A_450 = arith.constant 0 : i32
        %dma_wait3A_451 = arith.constant 0 : i32
        %dma_wait3A_452 = tpu.memref_slice %arg6[%dma_wait3A_441, %dma_wait3A_450, %dma_wait3A_451] : memref<8x64x128xf32, #tpu.memory_space<vmem>> -> memref<1x64x128xf32, #tpu.memory_space<vmem>>
        %dma_wait3A_453 = tpu.memref_squeeze %dma_wait3A_452 : memref<1x64x128xf32, #tpu.memory_space<vmem>> -> memref<64x128xf32, #tpu.memory_space<vmem>>
        tpu.wait_dma2 semaphore(%arg17 : memref<!tpu.dma_semaphore, #tpu.memory_space<semaphore_mem>>) src(%dma_wait3A_453 : memref<64x128xf32, #tpu.memory_space<vmem>>) dst(%dma_wait3A_449 : memref<64x128xf32, #tpu.memory_space<hbm>>)
      } else {
      }
      %add3A_307 = arith.constant 6 : i32
      %add3A_308 = arith.addi %add3A_274, %add3A_307 : i32
      %lt3A_309 = arith.constant 400 : i32
      %lt3A_310 = arith.cmpi slt, %add3A_308, %lt3A_309 : i32
      %convert_element_type3A_311 = arith.extui %lt3A_310 : i1 to i32
      %cond3A_312 = arith.constant 0 : i32
      %cond3A_313 = arith.cmpi ne, %convert_element_type3A_311, %cond3A_312 : i32
      scf.if %cond3A_313 {
        %add3A_437 = arith.constant 6 : i32
        %add3A_438 = arith.addi %add3A_274, %add3A_437 : i32
        %dma_start3A_439 = arith.constant 2 : i32
        %dma_start3A_440 = arith.constant 0 : i32
        %dma_start3A_441 = arith.constant 0 : i32
        %dma_start3A_442 = tpu.memref_slice %arg6[%dma_start3A_439, %dma_start3A_440, %dma_start3A_441] : memref<8x64x128xf32, #tpu.memory_space<vmem>> -> memref<1x64x128xf32, #tpu.memory_space<vmem>>
        %dma_start3A_443 = tpu.memref_squeeze %dma_start3A_442 : memref<1x64x128xf32, #tpu.memory_space<vmem>> -> memref<64x128xf32, #tpu.memory_space<vmem>>
        %dma_start3A_444 = arith.constant 0 : i32
        %dma_start3A_445 = tpu.memref_slice %arg5[%add3A_438, %dma_start3A_444] : memref<400x64xi32, #tpu.memory_space<vmem>> -> memref<1x64xi32, #tpu.memory_space<vmem>>
        %dma_start3A_446 = tpu.memref_squeeze %dma_start3A_445 : memref<1x64xi32, #tpu.memory_space<vmem>> -> memref<64xi32, #tpu.memory_space<vmem>>
        %dma_start3A_447 = arith.constant 0 : i32
        %dma_start3A_448 = arith.constant 0 : i32
        %dma_start3A_449 = tpu.memref_slice %arg2[%dma_start3A_447, %dma_start3A_448] : memref<100000x128xf32, #tpu.memory_space<hbm>> -> memref<100000x128xf32, #tpu.memory_space<hbm>>
        tpu.enqueue_indirect_dma source(%dma_start3A_449 : memref<100000x128xf32, #tpu.memory_space<hbm>>) target(%dma_start3A_443 : memref<64x128xf32, #tpu.memory_space<vmem>>) offsets(%dma_start3A_446 : memref<64xi32, #tpu.memory_space<vmem>>) semaphore(%arg9 : memref<!tpu.dma_semaphore, #tpu.memory_space<semaphore_mem>>)
      } else {
      }
      %add3A_314 = arith.constant 5 : i32
      %add3A_315 = arith.addi %mul3A_112, %add3A_314 : i32
      %dma_wait3A_316 = arith.constant 5 : i32
      %dma_wait3A_317 = arith.constant 0 : i32
      %dma_wait3A_318 = arith.constant 0 : i32
      %dma_wait3A_319 = tpu.memref_slice %arg6[%dma_wait3A_316, %dma_wait3A_317, %dma_wait3A_318] : memref<8x64x128xf32, #tpu.memory_space<vmem>> -> memref<1x64x128xf32, #tpu.memory_space<vmem>>
      %dma_wait3A_320 = tpu.memref_squeeze %dma_wait3A_319 : memref<1x64x128xf32, #tpu.memory_space<vmem>> -> memref<64x128xf32, #tpu.memory_space<vmem>>
      %dma_wait3A_321 = arith.constant 0 : i32
      %dma_wait3A_322 = tpu.memref_slice %arg5[%add3A_315, %dma_wait3A_321] : memref<400x64xi32, #tpu.memory_space<vmem>> -> memref<1x64xi32, #tpu.memory_space<vmem>>
      %dma_wait3A_323 = tpu.memref_squeeze %dma_wait3A_322 : memref<1x64xi32, #tpu.memory_space<vmem>> -> memref<64xi32, #tpu.memory_space<vmem>>
      %dma_wait3A_324 = arith.constant 0 : i32
      %dma_wait3A_325 = arith.constant 0 : i32
      %dma_wait3A_326 = tpu.memref_slice %arg2[%dma_wait3A_324, %dma_wait3A_325] : memref<100000x128xf32, #tpu.memory_space<hbm>> -> memref<100000x128xf32, #tpu.memory_space<hbm>>
      tpu.wait_indirect_dma semaphore(%arg12 : memref<!tpu.dma_semaphore, #tpu.memory_space<semaphore_mem>>) src(%dma_wait3A_326 : memref<100000x128xf32, #tpu.memory_space<hbm>>) dst(%dma_wait3A_320 : memref<64x128xf32, #tpu.memory_space<vmem>>)
      %mul3A_327 = arith.constant 64 : i32
      %mul3A_328 = arith.muli %add3A_315, %mul3A_327 : i32
      %add3A_329 = arith.addi %mul3A_4, %mul3A_328 : i32
      %dma_start3A_330 = arith.constant 5 : i32
      %dma_start3A_331 = arith.constant 0 : i32
      %dma_start3A_332 = arith.constant 0 : i32
      %dma_start3A_333 = tpu.memref_slice %arg6[%dma_start3A_330, %dma_start3A_331, %dma_start3A_332] : memref<8x64x128xf32, #tpu.memory_space<vmem>> -> memref<1x64x128xf32, #tpu.memory_space<vmem>>
      %dma_start3A_334 = tpu.memref_squeeze %dma_start3A_333 : memref<1x64x128xf32, #tpu.memory_space<vmem>> -> memref<64x128xf32, #tpu.memory_space<vmem>>
      %dma_start3A_335 = arith.constant 0 : i32
      %dma_start3A_336 = tpu.memref_slice %arg4[%add3A_329, %dma_start3A_335] : memref<819200x128xf32, #tpu.memory_space<hbm>> -> memref<64x128xf32, #tpu.memory_space<hbm>>
      %dma_start3A_337 = arith.constant 0 : i32
      %dma_start3A_338 = tpu.memref_slice %arg4[%add3A_329, %dma_start3A_337] : memref<819200x128xf32, #tpu.memory_space<hbm>> -> memref<64x128xf32, #tpu.memory_space<hbm>>
      %dma_start3A_339 = arith.constant 0 : i32
      %dma_start3A_340 = arith.constant 0 : i32
      %dma_start3A_341 = tpu.memref_slice %arg6[%dma_start3A_330, %dma_start3A_339, %dma_start3A_340] : memref<8x64x128xf32, #tpu.memory_space<vmem>> -> memref<1x64x128xf32, #tpu.memory_space<vmem>>
      %dma_start3A_342 = tpu.memref_squeeze %dma_start3A_341 : memref<1x64x128xf32, #tpu.memory_space<vmem>> -> memref<64x128xf32, #tpu.memory_space<vmem>>
      tpu.enqueue_dma source(%dma_start3A_342 : memref<64x128xf32, #tpu.memory_space<vmem>>) target(%dma_start3A_338 : memref<64x128xf32, #tpu.memory_space<hbm>>) target_semaphore(%arg20 : memref<!tpu.dma_semaphore, #tpu.memory_space<semaphore_mem>>)
      %ge3A_343 = arith.constant 2 : i32
      %ge3A_344 = arith.cmpi sge, %add3A_315, %ge3A_343 : i32
      %convert_element_type3A_345 = arith.extui %ge3A_344 : i1 to i32
      %cond3A_346 = arith.constant 0 : i32
      %cond3A_347 = arith.cmpi ne, %convert_element_type3A_345, %cond3A_346 : i32
      scf.if %cond3A_347 {
        %sub3A = arith.constant 2 : i32
        %sub3A_437 = arith.subi %add3A_315, %sub3A : i32
        %mul3A_438 = arith.constant 64 : i32
        %mul3A_439 = arith.muli %sub3A_437, %mul3A_438 : i32
        %add3A_440 = arith.addi %mul3A_4, %mul3A_439 : i32
        %dma_wait3A_441 = arith.constant 3 : i32
        %dma_wait3A_442 = arith.constant 0 : i32
        %dma_wait3A_443 = arith.constant 0 : i32
        %dma_wait3A_444 = tpu.memref_slice %arg6[%dma_wait3A_441, %dma_wait3A_442, %dma_wait3A_443] : memref<8x64x128xf32, #tpu.memory_space<vmem>> -> memref<1x64x128xf32, #tpu.memory_space<vmem>>
        %dma_wait3A_445 = tpu.memref_squeeze %dma_wait3A_444 : memref<1x64x128xf32, #tpu.memory_space<vmem>> -> memref<64x128xf32, #tpu.memory_space<vmem>>
        %dma_wait3A_446 = arith.constant 0 : i32
        %dma_wait3A_447 = tpu.memref_slice %arg4[%add3A_440, %dma_wait3A_446] : memref<819200x128xf32, #tpu.memory_space<hbm>> -> memref<64x128xf32, #tpu.memory_space<hbm>>
        %dma_wait3A_448 = arith.constant 0 : i32
        %dma_wait3A_449 = tpu.memref_slice %arg4[%add3A_440, %dma_wait3A_448] : memref<819200x128xf32, #tpu.memory_space<hbm>> -> memref<64x128xf32, #tpu.memory_space<hbm>>
        %dma_wait3A_450 = arith.constant 0 : i32
        %dma_wait3A_451 = arith.constant 0 : i32
        %dma_wait3A_452 = tpu.memref_slice %arg6[%dma_wait3A_441, %dma_wait3A_450, %dma_wait3A_451] : memref<8x64x128xf32, #tpu.memory_space<vmem>> -> memref<1x64x128xf32, #tpu.memory_space<vmem>>
        %dma_wait3A_453 = tpu.memref_squeeze %dma_wait3A_452 : memref<1x64x128xf32, #tpu.memory_space<vmem>> -> memref<64x128xf32, #tpu.memory_space<vmem>>
        tpu.wait_dma2 semaphore(%arg18 : memref<!tpu.dma_semaphore, #tpu.memory_space<semaphore_mem>>) src(%dma_wait3A_453 : memref<64x128xf32, #tpu.memory_space<vmem>>) dst(%dma_wait3A_449 : memref<64x128xf32, #tpu.memory_space<hbm>>)
      } else {
      }
      %add3A_348 = arith.constant 6 : i32
      %add3A_349 = arith.addi %add3A_315, %add3A_348 : i32
      %lt3A_350 = arith.constant 400 : i32
      %lt3A_351 = arith.cmpi slt, %add3A_349, %lt3A_350 : i32
      %convert_element_type3A_352 = arith.extui %lt3A_351 : i1 to i32
      %cond3A_353 = arith.constant 0 : i32
      %cond3A_354 = arith.cmpi ne, %convert_element_type3A_352, %cond3A_353 : i32
      scf.if %cond3A_354 {
        %add3A_437 = arith.constant 6 : i32
        %add3A_438 = arith.addi %add3A_315, %add3A_437 : i32
        %dma_start3A_439 = arith.constant 3 : i32
        %dma_start3A_440 = arith.constant 0 : i32
        %dma_start3A_441 = arith.constant 0 : i32
        %dma_start3A_442 = tpu.memref_slice %arg6[%dma_start3A_439, %dma_start3A_440, %dma_start3A_441] : memref<8x64x128xf32, #tpu.memory_space<vmem>> -> memref<1x64x128xf32, #tpu.memory_space<vmem>>
        %dma_start3A_443 = tpu.memref_squeeze %dma_start3A_442 : memref<1x64x128xf32, #tpu.memory_space<vmem>> -> memref<64x128xf32, #tpu.memory_space<vmem>>
        %dma_start3A_444 = arith.constant 0 : i32
        %dma_start3A_445 = tpu.memref_slice %arg5[%add3A_438, %dma_start3A_444] : memref<400x64xi32, #tpu.memory_space<vmem>> -> memref<1x64xi32, #tpu.memory_space<vmem>>
        %dma_start3A_446 = tpu.memref_squeeze %dma_start3A_445 : memref<1x64xi32, #tpu.memory_space<vmem>> -> memref<64xi32, #tpu.memory_space<vmem>>
        %dma_start3A_447 = arith.constant 0 : i32
        %dma_start3A_448 = arith.constant 0 : i32
        %dma_start3A_449 = tpu.memref_slice %arg2[%dma_start3A_447, %dma_start3A_448] : memref<100000x128xf32, #tpu.memory_space<hbm>> -> memref<100000x128xf32, #tpu.memory_space<hbm>>
        tpu.enqueue_indirect_dma source(%dma_start3A_449 : memref<100000x128xf32, #tpu.memory_space<hbm>>) target(%dma_start3A_443 : memref<64x128xf32, #tpu.memory_space<vmem>>) offsets(%dma_start3A_446 : memref<64xi32, #tpu.memory_space<vmem>>) semaphore(%arg10 : memref<!tpu.dma_semaphore, #tpu.memory_space<semaphore_mem>>)
      } else {
      }
      %add3A_355 = arith.constant 6 : i32
      %add3A_356 = arith.addi %mul3A_112, %add3A_355 : i32
      %dma_wait3A_357 = arith.constant 6 : i32
      %dma_wait3A_358 = arith.constant 0 : i32
      %dma_wait3A_359 = arith.constant 0 : i32
      %dma_wait3A_360 = tpu.memref_slice %arg6[%dma_wait3A_357, %dma_wait3A_358, %dma_wait3A_359] : memref<8x64x128xf32, #tpu.memory_space<vmem>> -> memref<1x64x128xf32, #tpu.memory_space<vmem>>
      %dma_wait3A_361 = tpu.memref_squeeze %dma_wait3A_360 : memref<1x64x128xf32, #tpu.memory_space<vmem>> -> memref<64x128xf32, #tpu.memory_space<vmem>>
      %dma_wait3A_362 = arith.constant 0 : i32
      %dma_wait3A_363 = tpu.memref_slice %arg5[%add3A_356, %dma_wait3A_362] : memref<400x64xi32, #tpu.memory_space<vmem>> -> memref<1x64xi32, #tpu.memory_space<vmem>>
      %dma_wait3A_364 = tpu.memref_squeeze %dma_wait3A_363 : memref<1x64xi32, #tpu.memory_space<vmem>> -> memref<64xi32, #tpu.memory_space<vmem>>
      %dma_wait3A_365 = arith.constant 0 : i32
      %dma_wait3A_366 = arith.constant 0 : i32
      %dma_wait3A_367 = tpu.memref_slice %arg2[%dma_wait3A_365, %dma_wait3A_366] : memref<100000x128xf32, #tpu.memory_space<hbm>> -> memref<100000x128xf32, #tpu.memory_space<hbm>>
      tpu.wait_indirect_dma semaphore(%arg13 : memref<!tpu.dma_semaphore, #tpu.memory_space<semaphore_mem>>) src(%dma_wait3A_367 : memref<100000x128xf32, #tpu.memory_space<hbm>>) dst(%dma_wait3A_361 : memref<64x128xf32, #tpu.memory_space<vmem>>)
      %mul3A_368 = arith.constant 64 : i32
      %mul3A_369 = arith.muli %add3A_356, %mul3A_368 : i32
      %add3A_370 = arith.addi %mul3A_4, %mul3A_369 : i32
      %dma_start3A_371 = arith.constant 6 : i32
      %dma_start3A_372 = arith.constant 0 : i32
      %dma_start3A_373 = arith.constant 0 : i32
      %dma_start3A_374 = tpu.memref_slice %arg6[%dma_start3A_371, %dma_start3A_372, %dma_start3A_373] : memref<8x64x128xf32, #tpu.memory_space<vmem>> -> memref<1x64x128xf32, #tpu.memory_space<vmem>>
      %dma_start3A_375 = tpu.memref_squeeze %dma_start3A_374 : memref<1x64x128xf32, #tpu.memory_space<vmem>> -> memref<64x128xf32, #tpu.memory_space<vmem>>
      %dma_start3A_376 = arith.constant 0 : i32
      %dma_start3A_377 = tpu.memref_slice %arg4[%add3A_370, %dma_start3A_376] : memref<819200x128xf32, #tpu.memory_space<hbm>> -> memref<64x128xf32, #tpu.memory_space<hbm>>
      %dma_start3A_378 = arith.constant 0 : i32
      %dma_start3A_379 = tpu.memref_slice %arg4[%add3A_370, %dma_start3A_378] : memref<819200x128xf32, #tpu.memory_space<hbm>> -> memref<64x128xf32, #tpu.memory_space<hbm>>
      %dma_start3A_380 = arith.constant 0 : i32
      %dma_start3A_381 = arith.constant 0 : i32
      %dma_start3A_382 = tpu.memref_slice %arg6[%dma_start3A_371, %dma_start3A_380, %dma_start3A_381] : memref<8x64x128xf32, #tpu.memory_space<vmem>> -> memref<1x64x128xf32, #tpu.memory_space<vmem>>
      %dma_start3A_383 = tpu.memref_squeeze %dma_start3A_382 : memref<1x64x128xf32, #tpu.memory_space<vmem>> -> memref<64x128xf32, #tpu.memory_space<vmem>>
      tpu.enqueue_dma source(%dma_start3A_383 : memref<64x128xf32, #tpu.memory_space<vmem>>) target(%dma_start3A_379 : memref<64x128xf32, #tpu.memory_space<hbm>>) target_semaphore(%arg21 : memref<!tpu.dma_semaphore, #tpu.memory_space<semaphore_mem>>)
      %ge3A_384 = arith.constant 2 : i32
      %ge3A_385 = arith.cmpi sge, %add3A_356, %ge3A_384 : i32
      %convert_element_type3A_386 = arith.extui %ge3A_385 : i1 to i32
      %cond3A_387 = arith.constant 0 : i32
      %cond3A_388 = arith.cmpi ne, %convert_element_type3A_386, %cond3A_387 : i32
      scf.if %cond3A_388 {
        %sub3A = arith.constant 2 : i32
        %sub3A_437 = arith.subi %add3A_356, %sub3A : i32
        %mul3A_438 = arith.constant 64 : i32
        %mul3A_439 = arith.muli %sub3A_437, %mul3A_438 : i32
        %add3A_440 = arith.addi %mul3A_4, %mul3A_439 : i32
        %dma_wait3A_441 = arith.constant 4 : i32
        %dma_wait3A_442 = arith.constant 0 : i32
        %dma_wait3A_443 = arith.constant 0 : i32
        %dma_wait3A_444 = tpu.memref_slice %arg6[%dma_wait3A_441, %dma_wait3A_442, %dma_wait3A_443] : memref<8x64x128xf32, #tpu.memory_space<vmem>> -> memref<1x64x128xf32, #tpu.memory_space<vmem>>
        %dma_wait3A_445 = tpu.memref_squeeze %dma_wait3A_444 : memref<1x64x128xf32, #tpu.memory_space<vmem>> -> memref<64x128xf32, #tpu.memory_space<vmem>>
        %dma_wait3A_446 = arith.constant 0 : i32
        %dma_wait3A_447 = tpu.memref_slice %arg4[%add3A_440, %dma_wait3A_446] : memref<819200x128xf32, #tpu.memory_space<hbm>> -> memref<64x128xf32, #tpu.memory_space<hbm>>
        %dma_wait3A_448 = arith.constant 0 : i32
        %dma_wait3A_449 = tpu.memref_slice %arg4[%add3A_440, %dma_wait3A_448] : memref<819200x128xf32, #tpu.memory_space<hbm>> -> memref<64x128xf32, #tpu.memory_space<hbm>>
        %dma_wait3A_450 = arith.constant 0 : i32
        %dma_wait3A_451 = arith.constant 0 : i32
        %dma_wait3A_452 = tpu.memref_slice %arg6[%dma_wait3A_441, %dma_wait3A_450, %dma_wait3A_451] : memref<8x64x128xf32, #tpu.memory_space<vmem>> -> memref<1x64x128xf32, #tpu.memory_space<vmem>>
        %dma_wait3A_453 = tpu.memref_squeeze %dma_wait3A_452 : memref<1x64x128xf32, #tpu.memory_space<vmem>> -> memref<64x128xf32, #tpu.memory_space<vmem>>
        tpu.wait_dma2 semaphore(%arg19 : memref<!tpu.dma_semaphore, #tpu.memory_space<semaphore_mem>>) src(%dma_wait3A_453 : memref<64x128xf32, #tpu.memory_space<vmem>>) dst(%dma_wait3A_449 : memref<64x128xf32, #tpu.memory_space<hbm>>)
      } else {
      }
      %add3A_389 = arith.constant 6 : i32
      %add3A_390 = arith.addi %add3A_356, %add3A_389 : i32
      %lt3A_391 = arith.constant 400 : i32
      %lt3A_392 = arith.cmpi slt, %add3A_390, %lt3A_391 : i32
      %convert_element_type3A_393 = arith.extui %lt3A_392 : i1 to i32
      %cond3A_394 = arith.constant 0 : i32
      %cond3A_395 = arith.cmpi ne, %convert_element_type3A_393, %cond3A_394 : i32
      scf.if %cond3A_395 {
        %add3A_437 = arith.constant 6 : i32
        %add3A_438 = arith.addi %add3A_356, %add3A_437 : i32
        %dma_start3A_439 = arith.constant 4 : i32
        %dma_start3A_440 = arith.constant 0 : i32
        %dma_start3A_441 = arith.constant 0 : i32
        %dma_start3A_442 = tpu.memref_slice %arg6[%dma_start3A_439, %dma_start3A_440, %dma_start3A_441] : memref<8x64x128xf32, #tpu.memory_space<vmem>> -> memref<1x64x128xf32, #tpu.memory_space<vmem>>
        %dma_start3A_443 = tpu.memref_squeeze %dma_start3A_442 : memref<1x64x128xf32, #tpu.memory_space<vmem>> -> memref<64x128xf32, #tpu.memory_space<vmem>>
        %dma_start3A_444 = arith.constant 0 : i32
        %dma_start3A_445 = tpu.memref_slice %arg5[%add3A_438, %dma_start3A_444] : memref<400x64xi32, #tpu.memory_space<vmem>> -> memref<1x64xi32, #tpu.memory_space<vmem>>
        %dma_start3A_446 = tpu.memref_squeeze %dma_start3A_445 : memref<1x64xi32, #tpu.memory_space<vmem>> -> memref<64xi32, #tpu.memory_space<vmem>>
        %dma_start3A_447 = arith.constant 0 : i32
        %dma_start3A_448 = arith.constant 0 : i32
        %dma_start3A_449 = tpu.memref_slice %arg2[%dma_start3A_447, %dma_start3A_448] : memref<100000x128xf32, #tpu.memory_space<hbm>> -> memref<100000x128xf32, #tpu.memory_space<hbm>>
        tpu.enqueue_indirect_dma source(%dma_start3A_449 : memref<100000x128xf32, #tpu.memory_space<hbm>>) target(%dma_start3A_443 : memref<64x128xf32, #tpu.memory_space<vmem>>) offsets(%dma_start3A_446 : memref<64xi32, #tpu.memory_space<vmem>>) semaphore(%arg11 : memref<!tpu.dma_semaphore, #tpu.memory_space<semaphore_mem>>)
      } else {
      }
      %add3A_396 = arith.constant 7 : i32
      %add3A_397 = arith.addi %mul3A_112, %add3A_396 : i32
      %dma_wait3A_398 = arith.constant 7 : i32
      %dma_wait3A_399 = arith.constant 0 : i32
      %dma_wait3A_400 = arith.constant 0 : i32
      %dma_wait3A_401 = tpu.memref_slice %arg6[%dma_wait3A_398, %dma_wait3A_399, %dma_wait3A_400] : memref<8x64x128xf32, #tpu.memory_space<vmem>> -> memref<1x64x128xf32, #tpu.memory_space<vmem>>
      %dma_wait3A_402 = tpu.memref_squeeze %dma_wait3A_401 : memref<1x64x128xf32, #tpu.memory_space<vmem>> -> memref<64x128xf32, #tpu.memory_space<vmem>>
      %dma_wait3A_403 = arith.constant 0 : i32
      %dma_wait3A_404 = tpu.memref_slice %arg5[%add3A_397, %dma_wait3A_403] : memref<400x64xi32, #tpu.memory_space<vmem>> -> memref<1x64xi32, #tpu.memory_space<vmem>>
      %dma_wait3A_405 = tpu.memref_squeeze %dma_wait3A_404 : memref<1x64xi32, #tpu.memory_space<vmem>> -> memref<64xi32, #tpu.memory_space<vmem>>
      %dma_wait3A_406 = arith.constant 0 : i32
      %dma_wait3A_407 = arith.constant 0 : i32
      %dma_wait3A_408 = tpu.memref_slice %arg2[%dma_wait3A_406, %dma_wait3A_407] : memref<100000x128xf32, #tpu.memory_space<hbm>> -> memref<100000x128xf32, #tpu.memory_space<hbm>>
      tpu.wait_indirect_dma semaphore(%arg14 : memref<!tpu.dma_semaphore, #tpu.memory_space<semaphore_mem>>) src(%dma_wait3A_408 : memref<100000x128xf32, #tpu.memory_space<hbm>>) dst(%dma_wait3A_402 : memref<64x128xf32, #tpu.memory_space<vmem>>)
      %mul3A_409 = arith.constant 64 : i32
      %mul3A_410 = arith.muli %add3A_397, %mul3A_409 : i32
      %add3A_411 = arith.addi %mul3A_4, %mul3A_410 : i32
      %dma_start3A_412 = arith.constant 7 : i32
      %dma_start3A_413 = arith.constant 0 : i32
      %dma_start3A_414 = arith.constant 0 : i32
      %dma_start3A_415 = tpu.memref_slice %arg6[%dma_start3A_412, %dma_start3A_413, %dma_start3A_414] : memref<8x64x128xf32, #tpu.memory_space<vmem>> -> memref<1x64x128xf32, #tpu.memory_space<vmem>>
      %dma_start3A_416 = tpu.memref_squeeze %dma_start3A_415 : memref<1x64x128xf32, #tpu.memory_space<vmem>> -> memref<64x128xf32, #tpu.memory_space<vmem>>
      %dma_start3A_417 = arith.constant 0 : i32
      %dma_start3A_418 = tpu.memref_slice %arg4[%add3A_411, %dma_start3A_417] : memref<819200x128xf32, #tpu.memory_space<hbm>> -> memref<64x128xf32, #tpu.memory_space<hbm>>
      %dma_start3A_419 = arith.constant 0 : i32
      %dma_start3A_420 = tpu.memref_slice %arg4[%add3A_411, %dma_start3A_419] : memref<819200x128xf32, #tpu.memory_space<hbm>> -> memref<64x128xf32, #tpu.memory_space<hbm>>
      %dma_start3A_421 = arith.constant 0 : i32
      %dma_start3A_422 = arith.constant 0 : i32
      %dma_start3A_423 = tpu.memref_slice %arg6[%dma_start3A_412, %dma_start3A_421, %dma_start3A_422] : memref<8x64x128xf32, #tpu.memory_space<vmem>> -> memref<1x64x128xf32, #tpu.memory_space<vmem>>
      %dma_start3A_424 = tpu.memref_squeeze %dma_start3A_423 : memref<1x64x128xf32, #tpu.memory_space<vmem>> -> memref<64x128xf32, #tpu.memory_space<vmem>>
      tpu.enqueue_dma source(%dma_start3A_424 : memref<64x128xf32, #tpu.memory_space<vmem>>) target(%dma_start3A_420 : memref<64x128xf32, #tpu.memory_space<hbm>>) target_semaphore(%arg22 : memref<!tpu.dma_semaphore, #tpu.memory_space<semaphore_mem>>)
      %ge3A_425 = arith.constant 2 : i32
      %ge3A_426 = arith.cmpi sge, %add3A_397, %ge3A_425 : i32
      %convert_element_type3A_427 = arith.extui %ge3A_426 : i1 to i32
      %cond3A_428 = arith.constant 0 : i32
      %cond3A_429 = arith.cmpi ne, %convert_element_type3A_427, %cond3A_428 : i32
      scf.if %cond3A_429 {
        %sub3A = arith.constant 2 : i32
        %sub3A_437 = arith.subi %add3A_397, %sub3A : i32
        %mul3A_438 = arith.constant 64 : i32
        %mul3A_439 = arith.muli %sub3A_437, %mul3A_438 : i32
        %add3A_440 = arith.addi %mul3A_4, %mul3A_439 : i32
        %dma_wait3A_441 = arith.constant 5 : i32
        %dma_wait3A_442 = arith.constant 0 : i32
        %dma_wait3A_443 = arith.constant 0 : i32
        %dma_wait3A_444 = tpu.memref_slice %arg6[%dma_wait3A_441, %dma_wait3A_442, %dma_wait3A_443] : memref<8x64x128xf32, #tpu.memory_space<vmem>> -> memref<1x64x128xf32, #tpu.memory_space<vmem>>
        %dma_wait3A_445 = tpu.memref_squeeze %dma_wait3A_444 : memref<1x64x128xf32, #tpu.memory_space<vmem>> -> memref<64x128xf32, #tpu.memory_space<vmem>>
        %dma_wait3A_446 = arith.constant 0 : i32
        %dma_wait3A_447 = tpu.memref_slice %arg4[%add3A_440, %dma_wait3A_446] : memref<819200x128xf32, #tpu.memory_space<hbm>> -> memref<64x128xf32, #tpu.memory_space<hbm>>
        %dma_wait3A_448 = arith.constant 0 : i32
        %dma_wait3A_449 = tpu.memref_slice %arg4[%add3A_440, %dma_wait3A_448] : memref<819200x128xf32, #tpu.memory_space<hbm>> -> memref<64x128xf32, #tpu.memory_space<hbm>>
        %dma_wait3A_450 = arith.constant 0 : i32
        %dma_wait3A_451 = arith.constant 0 : i32
        %dma_wait3A_452 = tpu.memref_slice %arg6[%dma_wait3A_441, %dma_wait3A_450, %dma_wait3A_451] : memref<8x64x128xf32, #tpu.memory_space<vmem>> -> memref<1x64x128xf32, #tpu.memory_space<vmem>>
        %dma_wait3A_453 = tpu.memref_squeeze %dma_wait3A_452 : memref<1x64x128xf32, #tpu.memory_space<vmem>> -> memref<64x128xf32, #tpu.memory_space<vmem>>
        tpu.wait_dma2 semaphore(%arg20 : memref<!tpu.dma_semaphore, #tpu.memory_space<semaphore_mem>>) src(%dma_wait3A_453 : memref<64x128xf32, #tpu.memory_space<vmem>>) dst(%dma_wait3A_449 : memref<64x128xf32, #tpu.memory_space<hbm>>)
      } else {
      }
      %add3A_430 = arith.constant 6 : i32
      %add3A_431 = arith.addi %add3A_397, %add3A_430 : i32
      %lt3A_432 = arith.constant 400 : i32
      %lt3A_433 = arith.cmpi slt, %add3A_431, %lt3A_432 : i32
      %convert_element_type3A_434 = arith.extui %lt3A_433 : i1 to i32
      %cond3A_435 = arith.constant 0 : i32
      %cond3A_436 = arith.cmpi ne, %convert_element_type3A_434, %cond3A_435 : i32
      scf.if %cond3A_436 {
        %add3A_437 = arith.constant 6 : i32
        %add3A_438 = arith.addi %add3A_397, %add3A_437 : i32
        %dma_start3A_439 = arith.constant 5 : i32
        %dma_start3A_440 = arith.constant 0 : i32
        %dma_start3A_441 = arith.constant 0 : i32
        %dma_start3A_442 = tpu.memref_slice %arg6[%dma_start3A_439, %dma_start3A_440, %dma_start3A_441] : memref<8x64x128xf32, #tpu.memory_space<vmem>> -> memref<1x64x128xf32, #tpu.memory_space<vmem>>
        %dma_start3A_443 = tpu.memref_squeeze %dma_start3A_442 : memref<1x64x128xf32, #tpu.memory_space<vmem>> -> memref<64x128xf32, #tpu.memory_space<vmem>>
        %dma_start3A_444 = arith.constant 0 : i32
        %dma_start3A_445 = tpu.memref_slice %arg5[%add3A_438, %dma_start3A_444] : memref<400x64xi32, #tpu.memory_space<vmem>> -> memref<1x64xi32, #tpu.memory_space<vmem>>
        %dma_start3A_446 = tpu.memref_squeeze %dma_start3A_445 : memref<1x64xi32, #tpu.memory_space<vmem>> -> memref<64xi32, #tpu.memory_space<vmem>>
        %dma_start3A_447 = arith.constant 0 : i32
        %dma_start3A_448 = arith.constant 0 : i32
        %dma_start3A_449 = tpu.memref_slice %arg2[%dma_start3A_447, %dma_start3A_448] : memref<100000x128xf32, #tpu.memory_space<hbm>> -> memref<100000x128xf32, #tpu.memory_space<hbm>>
        tpu.enqueue_indirect_dma source(%dma_start3A_449 : memref<100000x128xf32, #tpu.memory_space<hbm>>) target(%dma_start3A_443 : memref<64x128xf32, #tpu.memory_space<vmem>>) offsets(%dma_start3A_446 : memref<64xi32, #tpu.memory_space<vmem>>) semaphore(%arg12 : memref<!tpu.dma_semaphore, #tpu.memory_space<semaphore_mem>>)
      } else {
      }
    }
    %scan3A_80 = arith.constant 50 : i32
    %add3A_81 = arith.constant 25472 : i32
    %add3A_82 = arith.addi %mul3A_4, %add3A_81 : i32
    %dma_wait3A = arith.constant 6 : i32
    %dma_wait3A_83 = arith.constant 0 : i32
    %dma_wait3A_84 = arith.constant 0 : i32
    %dma_wait3A_85 = tpu.memref_slice %arg6[%dma_wait3A, %dma_wait3A_83, %dma_wait3A_84] : memref<8x64x128xf32, #tpu.memory_space<vmem>> -> memref<1x64x128xf32, #tpu.memory_space<vmem>>
    %dma_wait3A_86 = tpu.memref_squeeze %dma_wait3A_85 : memref<1x64x128xf32, #tpu.memory_space<vmem>> -> memref<64x128xf32, #tpu.memory_space<vmem>>
    %dma_wait3A_87 = arith.constant 0 : i32
    %dma_wait3A_88 = tpu.memref_slice %arg4[%add3A_82, %dma_wait3A_87] : memref<819200x128xf32, #tpu.memory_space<hbm>> -> memref<64x128xf32, #tpu.memory_space<hbm>>
    %dma_wait3A_89 = arith.constant 0 : i32
    %dma_wait3A_90 = tpu.memref_slice %arg4[%add3A_82, %dma_wait3A_89] : memref<819200x128xf32, #tpu.memory_space<hbm>> -> memref<64x128xf32, #tpu.memory_space<hbm>>
    %dma_wait3A_91 = arith.constant 0 : i32
    %dma_wait3A_92 = arith.constant 0 : i32
    %dma_wait3A_93 = tpu.memref_slice %arg6[%dma_wait3A, %dma_wait3A_91, %dma_wait3A_92] : memref<8x64x128xf32, #tpu.memory_space<vmem>> -> memref<1x64x128xf32, #tpu.memory_space<vmem>>
    %dma_wait3A_94 = tpu.memref_squeeze %dma_wait3A_93 : memref<1x64x128xf32, #tpu.memory_space<vmem>> -> memref<64x128xf32, #tpu.memory_space<vmem>>
    tpu.wait_dma2 semaphore(%arg21 : memref<!tpu.dma_semaphore, #tpu.memory_space<semaphore_mem>>) src(%dma_wait3A_94 : memref<64x128xf32, #tpu.memory_space<vmem>>) dst(%dma_wait3A_90 : memref<64x128xf32, #tpu.memory_space<hbm>>)
    %add3A_95 = arith.constant 25536 : i32
    %add3A_96 = arith.addi %mul3A_4, %add3A_95 : i32
    %dma_wait3A_97 = arith.constant 7 : i32
    %dma_wait3A_98 = arith.constant 0 : i32
    %dma_wait3A_99 = arith.constant 0 : i32
    %dma_wait3A_100 = tpu.memref_slice %arg6[%dma_wait3A_97, %dma_wait3A_98, %dma_wait3A_99] : memref<8x64x128xf32, #tpu.memory_space<vmem>> -> memref<1x64x128xf32, #tpu.memory_space<vmem>>
    %dma_wait3A_101 = tpu.memref_squeeze %dma_wait3A_100 : memref<1x64x128xf32, #tpu.memory_space<vmem>> -> memref<64x128xf32, #tpu.memory_space<vmem>>
    %dma_wait3A_102 = arith.constant 0 : i32
    %dma_wait3A_103 = tpu.memref_slice %arg4[%add3A_96, %dma_wait3A_102] : memref<819200x128xf32, #tpu.memory_space<hbm>> -> memref<64x128xf32, #tpu.memory_space<hbm>>
    %dma_wait3A_104 = arith.constant 0 : i32
    %dma_wait3A_105 = tpu.memref_slice %arg4[%add3A_96, %dma_wait3A_104] : memref<819200x128xf32, #tpu.memory_space<hbm>> -> memref<64x128xf32, #tpu.memory_space<hbm>>
    %dma_wait3A_106 = arith.constant 0 : i32
    %dma_wait3A_107 = arith.constant 0 : i32
    %dma_wait3A_108 = tpu.memref_slice %arg6[%dma_wait3A_97, %dma_wait3A_106, %dma_wait3A_107] : memref<8x64x128xf32, #tpu.memory_space<vmem>> -> memref<1x64x128xf32, #tpu.memory_space<vmem>>
    %dma_wait3A_109 = tpu.memref_squeeze %dma_wait3A_108 : memref<1x64x128xf32, #tpu.memory_space<vmem>> -> memref<64x128xf32, #tpu.memory_space<vmem>>
    tpu.wait_dma2 semaphore(%arg22 : memref<!tpu.dma_semaphore, #tpu.memory_space<semaphore_mem>>) src(%dma_wait3A_109 : memref<64x128xf32, #tpu.memory_space<vmem>>) dst(%dma_wait3A_105 : memref<64x128xf32, #tpu.memory_space<hbm>>)
    return
  }
}

</mosaic_0001>

<sc_bundles>
// kernel: kernel.3.cloned.1.call-start
scs
__scs_entry_jumppad:
0x0: {  	(pc) =	sbr.rel $0x88, $3  }
0x1: {  	(tag) =	ssettag $0x0;
	lr =	simm.s32 $0x1  }
0x2: {  	[smem:$0x3F9F] =	sst lr;
	_ =	strace $0xD0000000  }
0x3: {  	_ = 	snop  }
0x4: {  	_ = 	snop  }
0x5: {  	_ = 	snop  }
0x6: {  	_ = 	snop  }
0x7: {  	_ = 	snop  }
__scs_overlays_trampoline_lowered:
0x8: {  	[smem:$0x3FAE] =	sst s0  }
0x9: {  	[smem:$0x3FAF] =	sst s1  }
0xa: {  	[smem:$0x3FB0] =	sst s2  }
0xb: {  	[smem:$0x3FB1] =	sst s3  }
0xc: {  	[smem:$0x3FB2] =	sst s4  }
0xd: {  	[smem:$0x3FB3] =	sst s5  }
0xe: {  	[smem:$0x3FB4] =	sst s6  }
0xf: {  	[smem:$0x3FB5] =	sst s7  }
0x10: {  	[smem:$0x3FB6] =	sst s8  }
0x11: {  	[smem:$0x3FB7] =	sst s9;
	s0 =	simm.s32 @!p0 $0x0  }
0x12: {  	s1 =	sld [smem:$0x3F9D];
	s0 =	simm.s32 @p0 $0x1  }
0x13: {  	[smem:$0x3FB8] =	sst s0;
	s0 =	simm.s32 @!p1 $0x0  }
0x14: {  	s2 =	sld [smem:$0x3F9C];
	s0 =	simm.s32 @p1 $0x1  }
0x15: {  	[smem:$0x3FB9] =	sst s0;
	s0 =	simm.s32 @!p2 $0x0  }
0x16: {  	s3 =	sld [smem:$0x3FDB];
	s0 =	simm.s32 @p2 $0x1  }
0x17: {  	s4 =	simm.s32 $0x1BF5;
	[smem:$0x3FBB] =	sst s0  }
0x18: {  	s0 =	sld [smem:$0x3F9E];
	_ =	swait.ge [sflag:s4], $0x0  }
0x19: {  	s7 =	sld [smem:$0x3F9F]  }
0x1a: {  	s8 =	sadd.s32 $0xFFFFE003, lr  }
0x1b: {  	s9 =	sadd.s32 $0xFFFFFEF7, lr;
	s5 =	simm.s32 $0xFFFFFFFF;
	p2 =	slt.u32 s8, $0xFFFFF086  }
0x1c: {  	p1 =	slt.u32 s9, $0xF7A;
	s5 =	simm.s32 @!p2 $0x0  }
0x1d: {  	s5 =	simm.s32 @p1 $0x1;
	p0 =	seq.s32 s7, s2  }
0x1e: {  	s7 =	smul.u32 @!p0 $0xF7A, s2;
	p2 =	seq.s32 @!p0 s5, $0x0  }
0x1f: {  	s9 =	smul.u32 $0xF7A, s1;
	s8 =	simm.s32 @!p0 $0x1BF5;
	p2 =	por !p2, p0  }
0x20: {  	[sflag:s8] =	ssyncset.s32 @!p0 $0xFFFFF086;
	s6 =	sadd.s32 @!p0 s3, s7;
	s7 =	simm.s32 @!p0 $0x108  }
0x21: {  	s3 =	sadd.s32 s3, s9;
	s6 =	sadd.s32 @!p0 $0x88, s6;
	s7 =	simm.s32 @p2 $0x1082  }
0x22: {  	[simem:s7], [sflag:s8] =	dma.local @!p0 [hbm:s6], $0xF7A  }
0x23: {  	s9 =	sor.u32 $0xD0000000, s2;
	s6 =	simm.s32 $0x108;
	_ =	swait.ge @!p0 [sflag:s8], $0x0  }
0x24: {  	s3 =	sadd.s32 $0x88, s3;
	s6 =	simm.s32 @!p1 $0x1082;
	[sflag:s4] =	ssyncset.s32 $0xFFFFF086  }
0x25: {  	[simem:s6], [sflag:s4] =	dma.local [hbm:s3], $0xF7A  }
0x26: {  	[smem:$0x3F9F] =	sst s1;
	(tag) =	ssettag s2;
	_ =	strace s9  }
0x27: {  	s1 =	sld [smem:$0x3FAF]  }
0x28: {  	s2 =	sld [smem:$0x3FB0]  }
0x29: {  	s4 =	sld [smem:$0x3FB2]  }
0x2a: {  	p0 =	seq.s32 s5, $0x0;
	s5 =	sld [smem:$0x3FB3]  }
0x2b: {  	s6 =	sld [smem:$0x3FB4]  }
0x2c: {  	s7 =	sld [smem:$0x3FB5]  }
0x2d: {  	s3 =	simm.s32 $0x108;
	s8 =	sld [smem:$0x3FB6]  }
0x2e: {  	s3 =	simm.s32 @!p0 $0x1082;
	s9 =	sld [smem:$0x3FB7]  }
0x2f: {  	lr =	sadd.s32 s0, s3;
	s0 =	sld [smem:$0x3FAE]  }
0x30: {  	s3 =	sld [smem:$0x3FB1]  }
0x31: {  	[smem:$0x3FBA] =	sst s10  }
0x32: {  	s10 =	sld [smem:$0x3FB8];
	_ =	sdelay $0x3  }
0x33: {  	p0 =	seq.s32 s10, $0x1;
	s10 =	sld [smem:$0x3FBA];
	_ =	sdelay $0x3  }
0x34: {  	[smem:$0x3FBA] =	sst s10  }
0x35: {  	s10 =	sld [smem:$0x3FB9];
	_ =	sdelay $0x3  }
0x36: {  	p1 =	seq.s32 s10, $0x1;
	s10 =	sld [smem:$0x3FBA];
	_ =	sdelay $0x3  }
0x37: {  	[smem:$0x3FBA] =	sst s10  }
0x38: {  	s10 =	sld [smem:$0x3FBB]  }
0x39: {  	_ = 	snop;
	(pc) =	sbr.ind lr, $3  }
0x3a: {  	_ = 	snop  }
0x3b: {  	_ = 	snop  }
0x3c: {  	p2 =	seq.s32 s10, $0x1;
	s10 =	sld [smem:$0x3FBA]  }
0x3d: {  	_ =	shalt  }
0x3e: {  	_ =	shalt  }
0x3f: {  	_ =	shalt  }
0x40: {  	_ =	shalt  }
0x41: {  	_ =	shalt  }
0x42: {  	_ =	shalt  }
0x43: {  	_ =	shalt  }
0x44: {  	_ =	shalt  }
0x45: {  	_ =	shalt  }
0x46: {  	_ =	shalt  }
0x47: {  	_ =	shalt  }
0x48: {  	_ =	shalt  }
0x49: {  	_ =	shalt  }
0x4a: {  	_ =	shalt  }
0x4b: {  	_ =	shalt  }
0x4c: {  	_ =	shalt  }
0x4d: {  	_ =	shalt  }
0x4e: {  	_ =	shalt  }
0x4f: {  	_ =	shalt  }
0x50: {  	_ =	shalt  }
0x51: {  	_ =	shalt  }
0x52: {  	_ =	shalt  }
0x53: {  	_ =	shalt  }
0x54: {  	_ =	shalt  }
0x55: {  	_ =	shalt  }
0x56: {  	_ =	shalt  }
0x57: {  	_ =	shalt  }
0x58: {  	_ =	shalt  }
0x59: {  	_ =	shalt  }
0x5a: {  	_ =	shalt  }
0x5b: {  	_ =	shalt  }
0x5c: {  	_ =	shalt  }
0x5d: {  	_ =	shalt  }
0x5e: {  	_ =	shalt  }
0x5f: {  	_ =	shalt  }
0x60: {  	_ =	shalt  }
0x61: {  	_ =	shalt  }
0x62: {  	_ =	shalt  }
0x63: {  	_ =	shalt  }
0x64: {  	_ =	shalt  }
0x65: {  	_ =	shalt  }
0x66: {  	_ =	shalt  }
0x67: {  	_ =	shalt  }
0x68: {  	_ =	shalt  }
0x69: {  	_ =	shalt  }
0x6a: {  	_ =	shalt  }
0x6b: {  	_ =	shalt  }
0x6c: {  	_ =	shalt  }
0x6d: {  	_ =	shalt  }
0x6e: {  	_ =	shalt  }
0x6f: {  	_ =	shalt  }
0x70: {  	_ =	shalt  }
0x71: {  	_ =	shalt  }
0x72: {  	_ =	shalt  }
0x73: {  	_ =	shalt  }
0x74: {  	_ =	shalt  }
0x75: {  	_ =	shalt  }
0x76: {  	_ =	shalt  }
0x77: {  	_ =	shalt  }
0x78: {  	_ =	shalt  }
0x79: {  	_ =	shalt  }
0x7a: {  	_ =	shalt  }
0x7b: {  	_ =	shalt  }
0x7c: {  	_ =	shalt  }
0x7d: {  	_ =	shalt  }
0x7e: {  	_ =	shalt  }
0x7f: {  	_ =	shalt  }
0x80: {  	_ =	shalt  }
0x81: {  	_ =	shalt  }
0x82: {  	_ =	shalt  }
0x83: {  	_ =	shalt  }
0x84: {  	_ =	shalt  }
0x85: {  	_ =	shalt  }
0x86: {  	_ =	shalt  }
0x87: {  	_ =	shalt  }
.Lfunc_end0:
.L_simem_size_0:
called_computation_lowered:
.L_overlay_start_0:
0x88: {  	s2 =	sld [smem:$0x3FD9]  }
0x89: {  	s3 =	sld [smem:$0x3FFE];
	_ =	sdelay $0x1  }
0x8a: {  	s1 =	srdreg.scid  }
0x8b: {  	s0 =	sand.u32 $0x1, s1  }
0x8c: {  	s17 =	sshll.u32 s0, $0xA;
	s2 =	sadd.s32 s3, s2  }
0x8d: {  	s2 =	sadd.s32 s2, s17  }
0x8e: {  	[smem:$0x3FC6] =	sst s2  }
0x8f: {  	_ = 	snop  }
0x90: {  	s2 =	sld [smem:$0x3FC8]  }
0x91: {  	s18 =	sld [smem:$0x3FD0];
	(tm) =	ssettm $0x1  }
0x92: {  	s4 =	sld [smem:$0x3FFB];
	_ =	sdelay $0x3  }
0x93: {  	_ =	strace s4  }
0x94: {  	s4 =	sld [smem:$0x3FFC];
	_ =	sdelay $0x3  }
0x95: {  	_ =	strace s4  }
0x96: {  	s4 =	sld [smem:$0x3FFD];
	_ =	sdelay $0x3  }
0x97: {  	_ =	strace s4  }
0x98: {  	_ =	strace $0x8FFFFFFF  }
0x99: {  	s19 =	sld [smem:$0x3FDB];
	_ =	sdelay $0x1  }
0x9a: {  	s5 =	simm.s32 $_scs_section_size  }
0x9b: {  	s6 =	simm.s32 $_size__tile_overlayer_lowered;
	s7 =	simm.s32 $_tile_overlayer_lowered  }
0x9c: {  	s22 =	simm.s32 $0x1BFF;
	s21 =	sshll.u32 s7, $0x1;
	s4 =	sadd.s32 s5, s19  }
0x9d: {  	s8 =	simm.s32 $0x0;
	s20 =	sshll.u32 s6, $0x1;
	s6 =	sadd.s32 s21, s4  }
0x9e: {  	[timem:s8], [sflag:s22] =	dma.local [hbm:s6], s20  }
0x9f: {  	_ =	swait.ge [sflag:s22], s20  }
0xa0: {  	s5 =	ssub.s32 $0x0, s20;
	[sflag:s22] =	ssyncset.done $0x0  }
0xa1: {  	[sflag:s22] =	ssyncadd.s32 s5;
	_ =	sdelay $0x1  }
0xa2: {  	s23 =	simm.s32 $0x1B8B  }
0xa3: {  	_ =	swait.ge [sflag:s23], $0x1  }
0xa4: {  	[sflag:s23] =	ssyncset.done $0x0  }
0xa5: {  	s25 =	simm.s32 $0x1B8E;
	s24 =	sld [smem:$0x3FFE];
	[sflag:s23] =	ssyncadd.s32 $0xFFFFFFFF  }
0xa6: {  	s26 =	simm.s32 $execute0_lowered;
	[smem:$0x3FD2] =	sst s25  }
0xa7: {  	s6 =	sshll.u32 s26, $0x1;
	_ =	strace $0x80000046;
	[dreg:$0x1] =	wrdreg $0xFFFFFFFF  }
0xa8: {  	s28 =	simm.s32 $_size_execute0_lowered;
	s4 =	sadd.s32 s4, s6;
	[dreg:$0x0] =	wrdreg $0x0  }
0xa9: {  	s6 =	sshll.u32 s28, $0x1;
	[dreg:$0x2] =	wrdreg s4  }
0xaa: {  	[dreg:$0x3] =	wrdreg s6  }
0xab: {  	[dreg:$0x4] =	wrdreg $0xC0  }
0xac: {  	_ =	task [dreg:s8], $0x5FFFF  }
0xad: {  	[dreg:$0x1] =	wrdreg $0xFFFFFFFF  }
0xae: {  	[dreg:$0x0] =	wrdreg $0x60  }
0xaf: {  	[dreg:$0x2] =	wrdreg s2  }
0xb0: {  	[dreg:$0x3] =	wrdreg s24  }
0xb1: {  	[dreg:$0x4] =	wrdreg s18  }
0xb2: {  	[dreg:$0x5] =	wrdreg $0x9  }
0xb3: {  	_ =	task.clear_ibuf [dreg:s8], $0x6FFFF;
	_ =	strace $0x90000046  }
0xb4: {  	s29 =	simm.s32 $0x9;
	_ =	strace $0x80000048  }
0xb5: {  	_ =	swait.ge [sflag:s29], $0x1  }
0xb6: {  	[sflag:s29] =	ssyncadd.s32 $0xFFFFFFFF  }
0xb7: {  	_ =	strace $0x90000048  }
0xb8: {  	_ =	sfence  }
0xb9: {  	s30 =	sld [smem:$0x0];
	_ =	sdelay $0x2  }
0xba: {  	s31 =	sshll.u32 s1, $0xD;
	s1 =	sshrl.u32 s1, $0x2  }
0xbb: {  	s3 =	sand.u32 $0x4000, s31;
	s1 =	sadd.s32 s1, s30  }
0xbc: {  	s0 =	sor.u32 s3, s0;
	s1 =	sshll.u32 s1, $0x11  }
0xbd: {  	s0 =	sor.u32 s1, s0  }
0xbe: {  	s0 =	sadd.s32 $0x8F2B, s0  }
0xbf: {  	[sflag:s0] =	ssyncadd.remote.s32 $0x1  }
0xc0: {  	_ =	sfence.sel $0xFFFF  }
0xc1: {  	[dreg:$0x0] =	wrdreg $0xFFFFFFFF;
	(pc) =	sbr.abs _section_cstart, $3  }
0xc2: {  	[dreg:$0x1] =	wrdreg $0xFFFFFFFF  }
0xc3: {  	_ =	task.clear_ibuf [dreg:s8], $0x2FFFF;
	_ =	strace $0x9FFFFFFF  }
0xc4: {  	(tm) =	ssettm $0x7FFFFFFF  }
0xc5: {  	_ =	shalt  }
tec
execute0_lowered:
.L_overlay_start_1:
0x0: {  	(tag) =	ssettag $0x1  }
0x1: {  	s0 =	srdreg.scid;
	s1 =	rddreg [dreg:$0x0]  }
0x2: {  	s5 =	stileid.u32;
	s3 =	rddreg [dreg:$0x1]  }
0x3: {  	s4 =	simm.s32 $0x0;
	s16 =	simm.s32 $0x40;
	s28 =	simm.s32 $0x16800  }
0x4: {  	s29 =	simm.s32 $0x1;
	s30 =	simm.s32 $0x18800;
	s31 =	simm.s32 $0x2  }
0x5: {  	s15 =	simm.s32 $0xD;
	s17 =	simm.s32 $0x8;
	s0 =	sand.u32 $0x1, s0  }
0x6: {  	s2 =	sshll.u32 s5, $0x1;
	s5 =	smul.u32 $0x640000, s5;
	[smem:$0x7FF] =	sst s4  }
0x7: {  	s2 =	sor.u32 s0, s2;
	s6 =	ssub.s32 $0x2, s0;
	s0 =	smul.u32 $0x320000, s0  }
0x8: {  	s9 =	simm.s32 $0x0;
	_ =	strace $0x80000047;
	s2 =	smul.u32 $0x1900, s2  }
0x9: {  	s18 =	sshrl.u32 s6, $0x1;
	s0 =	sadd.s32 s0, s5;
	s5 =	simm.s32 $0xC  }
0xa: {  	s2 =	sadd.s32 s2, s3;
	s3 =	ssub.s32 s6, s18;
	s20 =	sor.u32 $0xA000, s0  }
0xb: {  	s21 =	sor.u32 $0x8000, s0;
	s23 =	sor.u32 $0x6000, s0;
	s24 =	sor.u32 $0x4000, s0  }
0xc: {  	s25 =	sor.u32 $0x2000, s0;
	s26 =	sor.u32 $0xE000, s0;
	s12 =	sshrl.u32 s0, $0x3  }
0xd: {  	s0 =	sor.u32 $0xC000, s0;
	s18 =	simm.s32 $0x4;
	s6 =	simm.s32 $0x7  }
0xe: {  	s2 =	sadd.s32 $0x400, s2;
	s19 =	smax.u32 s3, $0x1;
	s22 =	sshrl.u32 s21, $0x3  }
0xf: {  	s11 =	sshrl.u32 s25, $0x3;
	s13 =	sshrl.u32 s26, $0x3;
	s14 =	sshrl.u32 s0, $0x3  }
0x10: {  	s0 =	simm.s32 $0x3;
	s3 =	simm.s32 $0x9;
	[dreg:$0x4] =	wrdreg s2  }
.Ltmp0:
0x11: {  	s26 =	simm.s32 $0x6;
	[dreg:$0x5] =	wrdreg s19;
	(pc) =	sbr.rel .LBB2_1-.Ltmp0, $4  }
0x12: {  	s2 =	sshrl.u32 s20, $0x3;
	[dreg:$0x7] =	wrdreg s22;
	s20 =	simm.s32 $0xA  }
0x13: {  	s22 =	simm.s32 $0x5;
	[dreg:$0x6] =	wrdreg s2;
	s2 =	sshrl.u32 s23, $0x3  }
0x14: {  	s19 =	simm.s32 $0xE;
	[dreg:$0x8] =	wrdreg s2;
	s2 =	sshrl.u32 s24, $0x3  }
0x15: {  	s24 =	simm.s32 $0xB;
	[dreg:$0x9] =	wrdreg s2;
	s2 =	simm.s32 $0x1A800  }
.LBB2_4:
0x16: {  	s7 =	simm.s32 $0xF  }
0x17: {  	_ =	swait.ge [sflag:s7], $0x2000  }
0x18: {  	[sflag:s7] =	ssyncset.done $0x0  }
0x19: {  	s8 =	simm.s32 $0x10;
	[sflag:s7] =	ssyncadd.s32 $0xFFFFE000  }
0x1a: {  	_ =	swait.ge [sflag:s8], $0x2000  }
0x1b: {  	s9 =	rddreg [dreg:$0xa]  }
0x1c: {  	s25 =	rddreg [dreg:$0x5];
	s9 =	sadd.s32 $0x1, s9  }
0x1d: {  	p0 =	sne.s32 s9, s25  }
.Ltmp1:
0x1e: {  	_ = 	snop;
	(pc) =	sbr.rel @!p0 .LBB2_5-.Ltmp1, $3  }
0x1f: {  	_ =	sdelay $0x1  }
0x20: {  	[sflag:s8] =	ssyncset.done $0x0  }
0x21: {  	[sflag:s8] =	ssyncadd.s32 $0xFFFFE000  }
.LBB2_1:
0x22: {  	[dreg:$0xa] =	wrdreg s9  }
0x23: {  	s7 =	rddreg [dreg:$0x4];
	s9 =	simm.s32 $0x11  }
0x24: {  	[tilespmem:s4], [sflag:$0x11] =	stream.linear.gather [hbm4b:s7+s4], $0xC800, $0x38;
	[tilespmem:$0x1C800] =	vst v63  }
0x25: {  	_ =	swait.ge [sflag:s9], $0xC800  }
0x26: {  	[sflag:s9] =	ssyncset.done $0x0  }
0x27: {  	s10 =	simm.s32 $0xC800;
	[sflag:s9] =	ssyncadd.s32 $0xFFFF3800  }
0x28: {  	[tilespmem:s10], [sflag:$0x1] =	stream.indirect.gather [hbm4b:s1+s16], $0x80, s4, s16, $0xb8;
	[tilespmem:$0x1C800] =	vst v63  }
0x29: {  	s21 =	simm.s32 $0x80;
	s8 =	simm.s32 $0xE800  }
0x2a: {  	[tilespmem:s8], [sflag:$0x2] =	stream.indirect.gather [hbm4b:s1+s16], $0x80, s21, s16, $0xb8;
	[tilespmem:$0x1C800] =	vst v63  }
0x2b: {  	s23 =	simm.s32 $0x100;
	s25 =	simm.s32 $0x10800  }
0x2c: {  	[tilespmem:s25], [sflag:$0x3] =	stream.indirect.gather [hbm4b:s1+s16], $0x80, s23, s16, $0xb8;
	[tilespmem:$0x1C800] =	vst v63  }
0x2d: {  	s9 =	simm.s32 $0x180;
	s10 =	simm.s32 $0x12800  }
0x2e: {  	[tilespmem:s10], [sflag:$0x4] =	stream.indirect.gather [hbm4b:s1+s16], $0x80, s9, s16, $0xb8;
	[tilespmem:$0x1C800] =	vst v63  }
0x2f: {  	s21 =	simm.s32 $0x200;
	s23 =	simm.s32 $0x14800  }
0x30: {  	[tilespmem:s23], [sflag:$0x5] =	stream.indirect.gather [hbm4b:s1+s16], $0x80, s21, s16, $0xb8;
	[tilespmem:$0x1C800] =	vst v63  }
0x31: {  	s25 =	simm.s32 $0x280;
	s21 =	rddreg [dreg:$0x2];
	s23 =	simm.s32 $0x0  }
0x32: {  	[tilespmem:s28], [sflag:$0x6] =	stream.indirect.gather [hbm4b:s1+s16], $0x80, s25, s16, $0xb8;
	[tilespmem:$0x1C800] =	vst v63  }
.LBB2_2:
0x33: {  	_ =	swait.ge [sflag:s29], $0x2000  }
0x34: {  	s25 =	sadd.s32 s21, s12;
	[sflag:s29] =	ssyncset.done $0x0  }
0x35: {  	s7 =	simm.s32 $0xC800;
	p0 =	seq.s32 s23, $0x0;
	[sflag:s29] =	ssyncadd.s32 $0xFFFFE000  }
0x36: {  	[hbm4b:s25+s4] =	stream.linear.scatter [tilespmem:s7], [sflag:$0x9], $0x2000, $0x38;
	[tilespmem:$0x1C800] =	vst v63  }
0x37: {  	s7 =	simm.s32 @!p0 $0xF  }
0x38: {  	_ =	swait.ge @!p0 [sflag:s7], $0x2000  }
0x39: {  	s25 =	sshra.s32 s23, $0x2;
	[sflag:s7] =	ssyncset.done @!p0 $0x0  }
0x3a: {  	s8 =	sadd.s32 $0x300, s25;
	[sflag:s7] =	ssyncadd.s32 @!p0 $0xFFFFE000  }
0x3b: {  	[tilespmem:s30], [sflag:$0x7] =	stream.indirect.gather [hbm4b:s1+s16], $0x80, s8, s16, $0xb8;
	[tilespmem:$0x1C800] =	vst v63  }
0x3c: {  	_ =	swait.ge [sflag:s31], $0x2000  }
0x3d: {  	s9 =	sadd.s32 s21, s11;
	[sflag:s31] =	ssyncset.done $0x0  }
0x3e: {  	s7 =	simm.s32 @!p0 $0x10;
	s8 =	simm.s32 $0xE800;
	[sflag:s31] =	ssyncadd.s32 $0xFFFFE000  }
0x3f: {  	[hbm4b:s9+s4] =	stream.linear.scatter [tilespmem:s8], [sflag:$0xA], $0x2000, $0x38;
	[tilespmem:$0x1C800] =	vst v63  }
0x40: {  	_ =	swait.ge @!p0 [sflag:s7], $0x2000  }
0x41: {  	[sflag:s7] =	ssyncset.done @!p0 $0x0  }
0x42: {  	s10 =	sadd.s32 $0x380, s25;
	[sflag:s7] =	ssyncadd.s32 @!p0 $0xFFFFE000  }
0x43: {  	[tilespmem:s2], [sflag:$0x8] =	stream.indirect.gather [hbm4b:s1+s16], $0x80, s10, s16, $0xb8;
	[tilespmem:$0x1C800] =	vst v63  }
0x44: {  	_ =	swait.ge [sflag:s0], $0x2000  }
0x45: {  	[sflag:s0] =	ssyncset.done $0x0;
	s8 =	rddreg [dreg:$0x9]  }
0x46: {  	s9 =	simm.s32 $0x10800;
	[sflag:s0] =	ssyncadd.s32 $0xFFFFE000;
	s7 =	sadd.s32 s21, s8  }
0x47: {  	[hbm4b:s7+s4] =	stream.linear.scatter [tilespmem:s9], [sflag:$0xB], $0x2000, $0x38;
	[tilespmem:$0x1C800] =	vst v63  }
0x48: {  	p0 =	seq.s32 s23, $0x31000;
	_ =	swait.ge [sflag:s3], $0x2000  }
0x49: {  	s10 =	simm.s32 @!p0 $0xC800;
	s7 =	sshra.s32 @!p0 s23, $0x2;
	[sflag:s3] =	ssyncset.done $0x0  }
0x4a: {  	s9 =	simm.s32 @!p0 $0x40;
	s8 =	sadd.s32 @!p0 $0x400, s7;
	[sflag:s3] =	ssyncadd.s32 $0xFFFFE000  }
0x4b: {  	[tilespmem:s10], [sflag:$0x1] =	stream.indirect.gather @!p0 [hbm4b:s1+s9], $0x80, s8, s9, $0xb8;
	[tilespmem:$0x1C800] =	vst v63  }
0x4c: {  	_ =	swait.ge [sflag:s18], $0x2000  }
0x4d: {  	[sflag:s18] =	ssyncset.done $0x0;
	s10 =	rddreg [dreg:$0x8]  }
0x4e: {  	[sflag:s18] =	ssyncadd.s32 $0xFFFFE000;
	s8 =	sadd.s32 s21, s10;
	s10 =	simm.s32 $0x12800  }
0x4f: {  	[hbm4b:s8+s4] =	stream.linear.scatter [tilespmem:s10], [sflag:$0xC], $0x2000, $0x38;
	[tilespmem:$0x1C800] =	vst v63  }
0x50: {  	_ =	swait.ge [sflag:s20], $0x2000  }
0x51: {  	[sflag:s20] =	ssyncset.done $0x0  }
0x52: {  	s8 =	sadd.s32 @!p0 $0x480, s7;
	s10 =	simm.s32 @!p0 $0xE800;
	[sflag:s20] =	ssyncadd.s32 $0xFFFFE000  }
0x53: {  	[tilespmem:s10], [sflag:$0x2] =	stream.indirect.gather @!p0 [hbm4b:s1+s9], $0x80, s8, s9, $0xb8;
	[tilespmem:$0x1C800] =	vst v63  }
0x54: {  	_ =	swait.ge [sflag:s22], $0x2000  }
0x55: {  	[sflag:s22] =	ssyncset.done $0x0;
	s10 =	rddreg [dreg:$0x7]  }
0x56: {  	[sflag:s22] =	ssyncadd.s32 $0xFFFFE000;
	s8 =	sadd.s32 s21, s10;
	s10 =	simm.s32 $0x14800  }
0x57: {  	[hbm4b:s8+s4] =	stream.linear.scatter [tilespmem:s10], [sflag:$0xD], $0x2000, $0x38;
	[tilespmem:$0x1C800] =	vst v63  }
0x58: {  	_ =	swait.ge [sflag:s24], $0x2000  }
0x59: {  	[sflag:s24] =	ssyncset.done $0x0  }
0x5a: {  	s8 =	sadd.s32 @!p0 $0x500, s7;
	s10 =	simm.s32 @!p0 $0x10800;
	[sflag:s24] =	ssyncadd.s32 $0xFFFFE000  }
0x5b: {  	[tilespmem:s10], [sflag:$0x3] =	stream.indirect.gather @!p0 [hbm4b:s1+s9], $0x80, s8, s9, $0xb8;
	[tilespmem:$0x1C800] =	vst v63  }
0x5c: {  	_ =	swait.ge [sflag:s26], $0x2000  }
0x5d: {  	[sflag:s26] =	ssyncset.done $0x0;
	s10 =	rddreg [dreg:$0x6]  }
0x5e: {  	[sflag:s26] =	ssyncadd.s32 $0xFFFFE000;
	s8 =	sadd.s32 s21, s10  }
0x5f: {  	[hbm4b:s8+s4] =	stream.linear.scatter [tilespmem:s28], [sflag:$0xE], $0x2000, $0x38;
	[tilespmem:$0x1C800] =	vst v63  }
0x60: {  	_ =	swait.ge [sflag:s5], $0x2000  }
0x61: {  	[sflag:s5] =	ssyncset.done $0x0  }
0x62: {  	s10 =	simm.s32 @!p0 $0x12800;
	s8 =	sadd.s32 @!p0 $0x580, s7;
	[sflag:s5] =	ssyncadd.s32 $0xFFFFE000  }
0x63: {  	[tilespmem:s10], [sflag:$0x4] =	stream.indirect.gather @!p0 [hbm4b:s1+s9], $0x80, s8, s9, $0xb8;
	[tilespmem:$0x1C800] =	vst v63  }
0x64: {  	_ =	swait.ge [sflag:s6], $0x2000  }
0x65: {  	[sflag:s6] =	ssyncset.done $0x0  }
0x66: {  	s10 =	sadd.s32 s21, s14;
	[sflag:s6] =	ssyncadd.s32 $0xFFFFE000  }
0x67: {  	[hbm4b:s10+s4] =	stream.linear.scatter [tilespmem:s30], [sflag:$0xF], $0x2000, $0x38;
	[tilespmem:$0x1C800] =	vst v63  }
0x68: {  	_ =	swait.ge [sflag:s15], $0x2000  }
0x69: {  	[sflag:s15] =	ssyncset.done $0x0  }
0x6a: {  	s7 =	sadd.s32 @!p0 $0x600, s7;
	s8 =	simm.s32 @!p0 $0x14800;
	[sflag:s15] =	ssyncadd.s32 $0xFFFFE000  }
0x6b: {  	[tilespmem:s8], [sflag:$0x5] =	stream.indirect.gather @!p0 [hbm4b:s1+s9], $0x80, s7, s9, $0xb8;
	[tilespmem:$0x1C800] =	vst v63  }
0x6c: {  	_ =	swait.ge [sflag:s17], $0x2000  }
0x6d: {  	[sflag:s17] =	ssyncset.done $0x0  }
.Ltmp2:
0x6e: {  	s10 =	sadd.s32 s21, s13;
	[sflag:s17] =	ssyncadd.s32 $0xFFFFE000;
	(pc) =	sbr.rel @p0 .LBB2_4-.Ltmp2, $4  }
0x6f: {  	[hbm4b:s10+s4] =	stream.linear.scatter [tilespmem:s2], [sflag:$0x10], $0x2000, $0x38;
	[tilespmem:$0x1C800] =	vst v63  }
0x70: {  	_ =	swait.ge [sflag:s19], $0x2000  }
0x71: {  	[sflag:s19] =	ssyncset.done $0x0  }
0x72: {  	[sflag:s19] =	ssyncadd.s32 $0xFFFFE000  }
.Ltmp3:
0x73: {  	(pc) =	sbr.rel .LBB2_2-.Ltmp3, $3  }
0x74: {  	_ =	sdelay $0x1  }
0x75: {  	s7 =	sadd.s32 $0x680, s25;
	s23 =	sadd.s32 $0x1000, s23;
	s21 =	sadd.s32 $0x2000, s21  }
0x76: {  	[tilespmem:s28], [sflag:$0x6] =	stream.indirect.gather [hbm4b:s1+s16], $0x80, s7, s16, $0xb8;
	[tilespmem:$0x1C800] =	vst v63  }
.LBB2_5:
0x77: {  	_ =	sfence.sel $0x180000  }
0x78: {  	[bflag:$0x0] =	sbarrier.arrive $0xFFFF  }
0x79: {  	_ =	strace $0x90000047  }
0x7a: {  	s0 =	stileid.u32;
	[bflag:$0x2] =	sbarrier.arrive $0xFFFF  }
0x7b: {  	p0 =	sne.s32 s0, $0x0;
	s0 =	rddreg [dreg:$0x3]  }
0x7c: {  	s0 =	sadd.s32 @!p0 $0x100000, s0  }
0x7d: {  	[sflag:s0] =	ssyncadd.tile.s32 @!p0 $0x1;
	_ =	shalt  }
.Lfunc_end2:
_tile_overlayer_lowered:
.L_overlay_start_2:
0x7e: {  	(tag) =	ssettag $0x2  }
0x7f: {  	s0 =	rddreg [dreg:$0x0];
	s2 =	stileid.u32  }
0x80: {  	s1 =	rddreg [dreg:$0x1];
	p0 =	sne.s32 s2, $0x0  }
0x81: {  	s3 =	rddreg [dreg:$0x2];
	[bflag:$0x3] =	sbarrier.arrive $0xFFFF;
	s2 =	simm.s32 @!p0 $0x1C11  }
0x82: {  	[timem:s3], [sflag:s2] =	dma.local @!p0 [hbm:s0], s1  }
0x83: {  	s0 =	simm.s32 @!p0 $0x11  }
0x84: {  	_ =	swait.ge @!p0 [sflag:s0], s1  }
0x85: {  	s1 =	ssub.s32 @!p0 $0x0, s1;
	[sflag:s0] =	ssyncset.done @!p0 $0x0  }
0x86: {  	[sflag:s0] =	ssyncadd.s32 @!p0 s1  }
0x87: {  	[bflag:$0x3] =	sbarrier.arrive $0xFFFF  }
0x88: {  	_ =	shalt  }

</sc_bundles>
